<compile_context>
chip_gen: v7x
topology: tpu7x:2x2x1
jax: 0.10.2.dev20260603
libtpu: 0.0.44.dev20260713+nightly
codegen_flags: <defaults>
</compile_context>

<pallas_src>
import jax
import jax.numpy as jnp
from jax import lax
from jax.experimental import pallas as pl
from jax.experimental.pallas import tpu as pltpu
from jax.experimental.pallas import tpu_sc as plsc

B, S = 4, 2048
HIDDEN = 768
EPS = 1e-12

NC, NS = 2, 16
NW = NC * NS
N_TOK = B * S
N_HALF = 2
HALF = N_TOK // N_HALF
TOK_PER_W = HALF // NW
CHUNK = min(64, TOK_PER_W)
N_CHUNK = TOK_PER_W // CHUNK

S_HALF = S // N_HALF
TC_BLK = S_HALF
W_PER_B = NW // B


def _make_sc_body(h):
    def body(ids_hbm, word_hbm, out_hbm, *refs):
        idx = refs[:N_CHUNK]
        rows = refs[N_CHUNK:2 * N_CHUNK]
        gsem = refs[2 * N_CHUNK:3 * N_CHUNK]
        osem = refs[3 * N_CHUNK:4 * N_CHUNK]
        wid = lax.axis_index("c") * NS + lax.axis_index("s")
        base = ((wid // W_PER_B) * S + h * S_HALF
                + (wid % W_PER_B) * TOK_PER_W)

        gathers = []
        for c in range(N_CHUNK):
            pltpu.sync_copy(ids_hbm.at[pl.ds(base + c * CHUNK, CHUNK)],
                            idx[c])
            gathers.append(
                pltpu.async_copy(word_hbm.at[idx[c]], rows[c], gsem[c]))
        outs = []
        for c in range(N_CHUNK):
            gathers[c].wait()
            outs.append(pltpu.async_copy(
                rows[c],
                out_hbm.at[pl.ds(wid * TOK_PER_W + c * CHUNK, CHUNK)],
                osem[c]))
        for oc in outs:
            oc.wait()
    return body


def _sc_gather(ids, word_emb, h):
    mesh = plsc.VectorSubcoreMesh(core_axis_name="c", subcore_axis_name="s",
                                  num_cores=NC, num_subcores=NS)
    f = pl.kernel(
        _make_sc_body(h),
        out_type=jax.ShapeDtypeStruct((HALF, HIDDEN), jnp.float32),
        mesh=mesh,
        compiler_params=pltpu.CompilerParams(needs_layout_passes=False),
        scratch_types=(
            [pltpu.VMEM((CHUNK,), jnp.int32) for _ in range(N_CHUNK)]
            + [pltpu.VMEM((CHUNK, HIDDEN), jnp.float32)
               for _ in range(N_CHUNK)]
            + [pltpu.SemaphoreType.DMA for _ in range(2 * N_CHUNK)]
        ),
    )
    return f(ids, word_emb)


def _ln_math(x, ttf, type_ref, gam, bet):
    t0 = type_ref[0:1, :]
    dt = type_ref[1:2, :] - t0
    x = x + t0 + ttf * dt
    mean = jnp.mean(x, axis=-1, keepdims=True)
    cent = x - mean
    var = jnp.mean(cent * cent, axis=-1, keepdims=True)
    return cent * lax.rsqrt(var + EPS) * gam + bet


def _tc_body_first(gath_ref, pos_ref, ttf_ref, type_ref, gam_ref, bet_ref,
                   out_ref):
    out_ref[...] = _ln_math(gath_ref[...] + pos_ref[...], ttf_ref[...],
                            type_ref, gam_ref[...], bet_ref[...])


def _tc_body_second(prev_ref, gath_ref, pos_ref, ttf_ref, type_ref, gam_ref,
                    bet_ref, out_ref):
    del prev_ref
    out_ref[...] = _ln_math(gath_ref[...] + pos_ref[...], ttf_ref[...],
                            type_ref, gam_ref[...], bet_ref[...])


def _tc_ln(gathered, ttf2d, pos_emb, type_emb, gamma, beta, h, prev):
    kpb = S_HALF // TC_BLK
    grid = (kpb, B)
    common_specs = [
        pl.BlockSpec((TC_BLK, HIDDEN), lambda k, b: (b * kpb + k, 0)),
        pl.BlockSpec((TC_BLK, HIDDEN), lambda k, b: (h * kpb + k, 0)),
        pl.BlockSpec((TC_BLK, 1),
                     lambda k, b: ((b * N_HALF + h) * kpb + k, 0)),
        pl.BlockSpec((2, HIDDEN), lambda k, b: (0, 0)),
        pl.BlockSpec((1, HIDDEN), lambda k, b: (0, 0)),
        pl.BlockSpec((1, HIDDEN), lambda k, b: (0, 0)),
    ]
    out_spec = pl.BlockSpec((TC_BLK, HIDDEN),
                            lambda k, b: ((b * N_HALF + h) * kpb + k, 0))
    out_shape = jax.ShapeDtypeStruct((N_TOK, HIDDEN), jnp.float32)
    if prev is None:
        return pl.pallas_call(
            _tc_body_first, grid=grid,
            in_specs=common_specs, out_specs=out_spec, out_shape=out_shape,
        )(gathered, pos_emb, ttf2d, type_emb, gamma, beta)
    return pl.pallas_call(
        _tc_body_second, grid=grid,
        in_specs=[pl.BlockSpec(memory_space=pl.ANY)]
        + common_specs,
        out_specs=out_spec, out_shape=out_shape,
        input_output_aliases={0: 0},
    )(prev, gathered, pos_emb, ttf2d, type_emb, gamma, beta)


@jax.jit
def _run(ids, ttf2d, word_emb, pos_emb, type_emb, gamma2d, beta2d):
    out = None
    gath = [_sc_gather(ids, word_emb, h) for h in range(N_HALF)]
    for h in range(N_HALF):
        out = _tc_ln(gath[h], ttf2d, pos_emb, type_emb, gamma2d, beta2d,
                     h, out)
    return out


def kernel(input_ids, token_type_ids, word_emb, pos_emb, type_emb, gamma, beta):
    ids = input_ids.reshape(-1).astype(jnp.int32)
    ttf2d = token_type_ids.reshape(-1, 1).astype(jnp.float32)
    out = _run(ids, ttf2d, word_emb, pos_emb, type_emb,
               gamma.reshape(1, HIDDEN), beta.reshape(1, HIDDEN))
    return out.reshape(B, S, HIDDEN)

# --- scband reference (transcript-rebuilt; emitter-appended) ---
"""Pipeline reference for scband-customized-bert-embeddings-32461362823788 (READ-ONLY COPY).

The authoritative reference and input builder live on the scoring server;
editing this copy changes nothing except your own understanding.
"""

import jax, jax.numpy as jnp
import numpy as np

VOCAB = 100000
MAX_POS = 2048
TYPE_VOCAB = 2
HIDDEN = 768
B, S = 4, 2048
EPS = 1e-12

def setup_inputs(seed: int = 0) -> dict:
    key = jax.random.key(seed)
    ks = jax.random.split(key, 8)
    input_ids = jax.random.randint(ks[0], (B, S), 0, VOCAB)
    token_type_ids = jax.random.randint(ks[1], (B, S), 0, TYPE_VOCAB)
    word_emb = jax.random.normal(ks[2], (VOCAB, HIDDEN), dtype=jnp.float32) * 0.02
    pos_emb = jax.random.normal(ks[3], (MAX_POS, HIDDEN), dtype=jnp.float32) * 0.02
    type_emb = jax.random.normal(ks[4], (TYPE_VOCAB, HIDDEN), dtype=jnp.float32) * 0.02
    gamma = jnp.ones((HIDDEN,), dtype=jnp.float32)
    beta = jnp.zeros((HIDDEN,), dtype=jnp.float32)
    return {
        "input_ids": input_ids,
        "token_type_ids": token_type_ids,
        "word_emb": word_emb,
        "pos_emb": pos_emb,
        "type_emb": type_emb,
        "gamma": gamma,
        "beta": beta,
    }

def reference(input_ids, token_type_ids, word_emb, pos_emb, type_emb, gamma, beta):
    b, s = input_ids.shape
    # position_ids default: arange(seq_len) broadcast to input shape
    position_ids = jnp.broadcast_to(jnp.arange(s, dtype=input_ids.dtype), (b, s))
    # gathers (SparseCore-mappable embedding lookups)
    inputs_embeds = jnp.take(word_emb, input_ids, axis=0)
    # sigma = 0.0 default -> additive noise term is exactly zero, omitted
    position_embeddings = jnp.take(pos_emb, position_ids, axis=0)
    token_type_embeddings = jnp.take(type_emb, token_type_ids, axis=0)
    embeddings = inputs_embeds + position_embeddings + token_type_embeddings
    # BertLayerNorm over last dim
    mean = jnp.mean(embeddings, axis=-1, keepdims=True)
    var = jnp.var(embeddings, axis=-1, keepdims=True)
    normed = (embeddings - mean) / jnp.sqrt(var + EPS)
    out = normed * gamma + beta
    # dropout is identity in eval mode
    return out

if __name__ == "__main__":
    import jax
    _d = setup_inputs()
    print(jax.jit(kernel)(*tuple(_d.values())))

</pallas_src>

<mosaic_0001>
#map = affine_map<(d0, d1) -> (0)>
#map1 = affine_map<(d0, d1) -> (0, 0)>
module attributes {stable_mosaic.version = 14 : i64} {
  func.func @body(%arg0: i32, %arg1: i32, %arg2: memref<8192xi32, #tpu.memory_space<hbm>>, %arg3: memref<100000x768xf32, #tpu.memory_space<hbm>>, %arg4: memref<4096x768xf32, #tpu.memory_space<hbm>>, %arg5: memref<64xi32, #tpu.memory_space<vmem>>, %arg6: memref<64xi32, #tpu.memory_space<vmem>>, %arg7: memref<64x768xf32, #tpu.memory_space<vmem>>, %arg8: memref<64x768xf32, #tpu.memory_space<vmem>>, %arg9: memref<!tpu.dma_semaphore, #tpu.memory_space<semaphore_mem>>, %arg10: memref<!tpu.dma_semaphore, #tpu.memory_space<semaphore_mem>>, %arg11: memref<!tpu.dma_semaphore, #tpu.memory_space<semaphore_mem>>, %arg12: memref<!tpu.dma_semaphore, #tpu.memory_space<semaphore_mem>>) attributes {dimension_semantics = [#tpu.dimension_semantics<core_parallel>, #tpu.dimension_semantics<subcore_parallel>], iteration_bounds = array<i64: 2, 16>, scalar_prefetch = 0 : i64, scratch_operands = 8 : i64, tpu.core_type = #tpu.core_type<sc_vector_subcore>, window_params = [{transform_indices = #map}, {transform_indices = #map1}, {transform_indices = #map1}]} {
    %mul3A = arith.constant 16 : i32
    %mul3A_0 = arith.muli %arg0, %mul3A : i32
    %add3A = arith.addi %mul3A_0, %arg1 : i32
    %jit3A = arith.constant 8 : i32
    %div3A = arith.divsi %add3A, %jit3A : i32
    %sign3A = arith.constant 0 : i32
    %sign3A_1 = arith.cmpi sgt, %add3A, %sign3A : i32
    %sign3A_2 = arith.extui %sign3A_1 : i1 to i32
    %sign3A_3 = arith.constant 0 : i32
    %sign3A_4 = arith.cmpi slt, %add3A, %sign3A_3 : i32
    %sign3A_5 = arith.extui %sign3A_4 : i1 to i32
    %sign3A_6 = arith.subi %sign3A_2, %sign3A_5 : i32
    %sign3A_7 = arith.constant 0 : i32
    %sign3A_8 = arith.cmpi sgt, %jit3A, %sign3A_7 : i32
    %sign3A_9 = arith.extui %sign3A_8 : i1 to i32
    %sign3A_10 = arith.constant 0 : i32
    %sign3A_11 = arith.cmpi slt, %jit3A, %sign3A_10 : i32
    %sign3A_12 = arith.extui %sign3A_11 : i1 to i32
    %sign3A_13 = arith.subi %sign3A_9, %sign3A_12 : i32
    %ne3A = arith.cmpi ne, %sign3A_6, %sign3A_13 : i32
    %rem3A = arith.remsi %add3A, %jit3A : i32
    %ne3A_14 = arith.constant 0 : i32
    %ne3A_15 = arith.cmpi ne, %rem3A, %ne3A_14 : i32
    %and3A = arith.andi %ne3A, %ne3A_15 : i1
    %sub3A = arith.constant 1 : i32
    %sub3A_16 = arith.subi %div3A, %sub3A : i32
    %select_n3A = arith.select %and3A, %sub3A_16, %div3A : i32
    %mul3A_17 = arith.constant 2048 : i32
    %mul3A_18 = arith.muli %select_n3A, %mul3A_17 : i32
    %add3A_19 = arith.constant 1024 : i32
    %add3A_20 = arith.addi %mul3A_18, %add3A_19 : i32
    %jit3A_21 = arith.constant 8 : i32
    %eq3A = arith.constant 0 : i32
    %eq3A_22 = arith.cmpi eq, %jit3A_21, %eq3A : i32
    %jit3A_23 = arith.constant 1 : i32
    %select_n3A_24 = arith.select %eq3A_22, %jit3A_23, %jit3A_21 : i32
    %rem3A_25 = arith.remsi %add3A, %select_n3A_24 : i32
    %ne3A_26 = arith.constant 0 : i32
    %ne3A_27 = arith.cmpi ne, %rem3A_25, %ne3A_26 : i32
    %lt3A = arith.constant 0 : i32
    %lt3A_28 = arith.cmpi slt, %rem3A_25, %lt3A : i32
    %lt3A_29 = arith.constant 0 : i32
    %lt3A_30 = arith.cmpi slt, %select_n3A_24, %lt3A_29 : i32
    %ne3A_31 = arith.xori %lt3A_28, %lt3A_30 : i1
    %and3A_32 = arith.andi %ne3A_31, %ne3A_27 : i1
    %add3A_33 = arith.addi %rem3A_25, %select_n3A_24 : i32
    %select_n3A_34 = arith.select %and3A_32, %add3A_33, %rem3A_25 : i32
    %mul3A_35 = arith.constant 128 : i32
    %mul3A_36 = arith.muli %select_n3A_34, %mul3A_35 : i32
    %add3A_37 = arith.addi %add3A_20, %mul3A_36 : i32
    %add3A_38 = arith.constant 0 : i32
    %add3A_39 = arith.addi %add3A_37, %add3A_38 : i32
    "tpu.region"() ({
      %run_scoped3A = tpu.sem_alloc : memref<!tpu.dma_semaphore, #tpu.memory_space<semaphore_mem>>
      %dma_start3A_76 = tpu.memref_slice %arg2[%add3A_39] : memref<8192xi32, #tpu.memory_space<hbm>> -> memref<64xi32, #tpu.memory_space<hbm>>
      %dma_start3A_77 = tpu.memref_slice %arg2[%add3A_39] : memref<8192xi32, #tpu.memory_space<hbm>> -> memref<64xi32, #tpu.memory_space<hbm>>
      tpu.enqueue_dma source(%dma_start3A_77 : memref<64xi32, #tpu.memory_space<hbm>>) target(%arg5 : memref<64xi32, #tpu.memory_space<vmem>>) target_semaphore(%run_scoped3A : memref<!tpu.dma_semaphore, #tpu.memory_space<semaphore_mem>>)
      %dma_wait3A_78 = tpu.memref_slice %arg2[%add3A_39] : memref<8192xi32, #tpu.memory_space<hbm>> -> memref<64xi32, #tpu.memory_space<hbm>>
      %dma_wait3A_79 = tpu.memref_slice %arg2[%add3A_39] : memref<8192xi32, #tpu.memory_space<hbm>> -> memref<64xi32, #tpu.memory_space<hbm>>
      tpu.wait_dma2 semaphore(%run_scoped3A : memref<!tpu.dma_semaphore, #tpu.memory_space<semaphore_mem>>) src(%dma_wait3A_79 : memref<64xi32, #tpu.memory_space<hbm>>) dst(%arg5 : memref<64xi32, #tpu.memory_space<vmem>>)
      tpu.yield
    }) : () -> ()
    %dma_start3A = arith.constant 0 : i32
    %dma_start3A_40 = arith.constant 0 : i32
    %dma_start3A_41 = tpu.memref_slice %arg3[%dma_start3A, %dma_start3A_40] : memref<100000x768xf32, #tpu.memory_space<hbm>> -> memref<100000x768xf32, #tpu.memory_space<hbm>>
    tpu.enqueue_indirect_dma source(%dma_start3A_41 : memref<100000x768xf32, #tpu.memory_space<hbm>>) target(%arg7 : memref<64x768xf32, #tpu.memory_space<vmem>>) offsets(%arg5 : memref<64xi32, #tpu.memory_space<vmem>>) semaphore(%arg9 : memref<!tpu.dma_semaphore, #tpu.memory_space<semaphore_mem>>)
    %add3A_42 = arith.constant 64 : i32
    %add3A_43 = arith.addi %add3A_37, %add3A_42 : i32
    "tpu.region"() ({
      %run_scoped3A = tpu.sem_alloc : memref<!tpu.dma_semaphore, #tpu.memory_space<semaphore_mem>>
      %dma_start3A_76 = tpu.memref_slice %arg2[%add3A_43] : memref<8192xi32, #tpu.memory_space<hbm>> -> memref<64xi32, #tpu.memory_space<hbm>>
      %dma_start3A_77 = tpu.memref_slice %arg2[%add3A_43] : memref<8192xi32, #tpu.memory_space<hbm>> -> memref<64xi32, #tpu.memory_space<hbm>>
      tpu.enqueue_dma source(%dma_start3A_77 : memref<64xi32, #tpu.memory_space<hbm>>) target(%arg6 : memref<64xi32, #tpu.memory_space<vmem>>) target_semaphore(%run_scoped3A : memref<!tpu.dma_semaphore, #tpu.memory_space<semaphore_mem>>)
      %dma_wait3A_78 = tpu.memref_slice %arg2[%add3A_43] : memref<8192xi32, #tpu.memory_space<hbm>> -> memref<64xi32, #tpu.memory_space<hbm>>
      %dma_wait3A_79 = tpu.memref_slice %arg2[%add3A_43] : memref<8192xi32, #tpu.memory_space<hbm>> -> memref<64xi32, #tpu.memory_space<hbm>>
      tpu.wait_dma2 semaphore(%run_scoped3A : memref<!tpu.dma_semaphore, #tpu.memory_space<semaphore_mem>>) src(%dma_wait3A_79 : memref<64xi32, #tpu.memory_space<hbm>>) dst(%arg6 : memref<64xi32, #tpu.memory_space<vmem>>)
      tpu.yield
    }) : () -> ()
    %dma_start3A_44 = arith.constant 0 : i32
    %dma_start3A_45 = arith.constant 0 : i32
    %dma_start3A_46 = tpu.memref_slice %arg3[%dma_start3A_44, %dma_start3A_45] : memref<100000x768xf32, #tpu.memory_space<hbm>> -> memref<100000x768xf32, #tpu.memory_space<hbm>>
    tpu.enqueue_indirect_dma source(%dma_start3A_46 : memref<100000x768xf32, #tpu.memory_space<hbm>>) target(%arg8 : memref<64x768xf32, #tpu.memory_space<vmem>>) offsets(%arg6 : memref<64xi32, #tpu.memory_space<vmem>>) semaphore(%arg10 : memref<!tpu.dma_semaphore, #tpu.memory_space<semaphore_mem>>)
    %dma_wait3A = arith.constant 0 : i32
    %dma_wait3A_47 = arith.constant 0 : i32
    %dma_wait3A_48 = tpu.memref_slice %arg3[%dma_wait3A, %dma_wait3A_47] : memref<100000x768xf32, #tpu.memory_space<hbm>> -> memref<100000x768xf32, #tpu.memory_space<hbm>>
    tpu.wait_indirect_dma semaphore(%arg9 : memref<!tpu.dma_semaphore, #tpu.memory_space<semaphore_mem>>) src(%dma_wait3A_48 : memref<100000x768xf32, #tpu.memory_space<hbm>>) dst(%arg7 : memref<64x768xf32, #tpu.memory_space<vmem>>)
    %mul3A_49 = arith.constant 128 : i32
    %mul3A_50 = arith.muli %add3A, %mul3A_49 : i32
    %add3A_51 = arith.constant 0 : i32
    %add3A_52 = arith.addi %mul3A_50, %add3A_51 : i32
    %dma_start3A_53 = arith.constant 0 : i32
    %dma_start3A_54 = tpu.memref_slice %arg4[%add3A_52, %dma_start3A_53] : memref<4096x768xf32, #tpu.memory_space<hbm>> -> memref<64x768xf32, #tpu.memory_space<hbm>>
    %dma_start3A_55 = arith.constant 0 : i32
    %dma_start3A_56 = tpu.memref_slice %arg4[%add3A_52, %dma_start3A_55] : memref<4096x768xf32, #tpu.memory_space<hbm>> -> memref<64x768xf32, #tpu.memory_space<hbm>>
    tpu.enqueue_dma source(%arg7 : memref<64x768xf32, #tpu.memory_space<vmem>>) target(%dma_start3A_56 : memref<64x768xf32, #tpu.memory_space<hbm>>) target_semaphore(%arg11 : memref<!tpu.dma_semaphore, #tpu.memory_space<semaphore_mem>>)
    %dma_wait3A_57 = arith.constant 0 : i32
    %dma_wait3A_58 = arith.constant 0 : i32
    %dma_wait3A_59 = tpu.memref_slice %arg3[%dma_wait3A_57, %dma_wait3A_58] : memref<100000x768xf32, #tpu.memory_space<hbm>> -> memref<100000x768xf32, #tpu.memory_space<hbm>>
    tpu.wait_indirect_dma semaphore(%arg10 : memref<!tpu.dma_semaphore, #tpu.memory_space<semaphore_mem>>) src(%dma_wait3A_59 : memref<100000x768xf32, #tpu.memory_space<hbm>>) dst(%arg8 : memref<64x768xf32, #tpu.memory_space<vmem>>)
    %mul3A_60 = arith.constant 128 : i32
    %mul3A_61 = arith.muli %add3A, %mul3A_60 : i32
    %add3A_62 = arith.constant 64 : i32
    %add3A_63 = arith.addi %mul3A_61, %add3A_62 : i32
    %dma_start3A_64 = arith.constant 0 : i32
    %dma_start3A_65 = tpu.memref_slice %arg4[%add3A_63, %dma_start3A_64] : memref<4096x768xf32, #tpu.memory_space<hbm>> -> memref<64x768xf32, #tpu.memory_space<hbm>>
    %dma_start3A_66 = arith.constant 0 : i32
    %dma_start3A_67 = tpu.memref_slice %arg4[%add3A_63, %dma_start3A_66] : memref<4096x768xf32, #tpu.memory_space<hbm>> -> memref<64x768xf32, #tpu.memory_space<hbm>>
    tpu.enqueue_dma source(%arg8 : memref<64x768xf32, #tpu.memory_space<vmem>>) target(%dma_start3A_67 : memref<64x768xf32, #tpu.memory_space<hbm>>) target_semaphore(%arg12 : memref<!tpu.dma_semaphore, #tpu.memory_space<semaphore_mem>>)
    %dma_wait3A_68 = arith.constant 0 : i32
    %dma_wait3A_69 = tpu.memref_slice %arg4[%add3A_52, %dma_wait3A_68] : memref<4096x768xf32, #tpu.memory_space<hbm>> -> memref<64x768xf32, #tpu.memory_space<hbm>>
    %dma_wait3A_70 = arith.constant 0 : i32
    %dma_wait3A_71 = tpu.memref_slice %arg4[%add3A_52, %dma_wait3A_70] : memref<4096x768xf32, #tpu.memory_space<hbm>> -> memref<64x768xf32, #tpu.memory_space<hbm>>
    tpu.wait_dma2 semaphore(%arg11 : memref<!tpu.dma_semaphore, #tpu.memory_space<semaphore_mem>>) src(%arg7 : memref<64x768xf32, #tpu.memory_space<vmem>>) dst(%dma_wait3A_71 : memref<64x768xf32, #tpu.memory_space<hbm>>)
    %dma_wait3A_72 = arith.constant 0 : i32
    %dma_wait3A_73 = tpu.memref_slice %arg4[%add3A_63, %dma_wait3A_72] : memref<4096x768xf32, #tpu.memory_space<hbm>> -> memref<64x768xf32, #tpu.memory_space<hbm>>
    %dma_wait3A_74 = arith.constant 0 : i32
    %dma_wait3A_75 = tpu.memref_slice %arg4[%add3A_63, %dma_wait3A_74] : memref<4096x768xf32, #tpu.memory_space<hbm>> -> memref<64x768xf32, #tpu.memory_space<hbm>>
    tpu.wait_dma2 semaphore(%arg12 : memref<!tpu.dma_semaphore, #tpu.memory_space<semaphore_mem>>) src(%arg8 : memref<64x768xf32, #tpu.memory_space<vmem>>) dst(%dma_wait3A_75 : memref<64x768xf32, #tpu.memory_space<hbm>>)
    return
  }
}

#map = affine_map<(d0, d1) -> (0)>
#map1 = affine_map<(d0, d1) -> (0, 0)>
module attributes {stable_mosaic.version = 14 : i64} {
  func.func @body(%arg0: i32, %arg1: i32, %arg2: memref<8192xi32, #tpu.memory_space<hbm>>, %arg3: memref<100000x768xf32, #tpu.memory_space<hbm>>, %arg4: memref<4096x768xf32, #tpu.memory_space<hbm>>, %arg5: memref<64xi32, #tpu.memory_space<vmem>>, %arg6: memref<64xi32, #tpu.memory_space<vmem>>, %arg7: memref<64x768xf32, #tpu.memory_space<vmem>>, %arg8: memref<64x768xf32, #tpu.memory_space<vmem>>, %arg9: memref<!tpu.dma_semaphore, #tpu.memory_space<semaphore_mem>>, %arg10: memref<!tpu.dma_semaphore, #tpu.memory_space<semaphore_mem>>, %arg11: memref<!tpu.dma_semaphore, #tpu.memory_space<semaphore_mem>>, %arg12: memref<!tpu.dma_semaphore, #tpu.memory_space<semaphore_mem>>) attributes {dimension_semantics = [#tpu.dimension_semantics<core_parallel>, #tpu.dimension_semantics<subcore_parallel>], iteration_bounds = array<i64: 2, 16>, scalar_prefetch = 0 : i64, scratch_operands = 8 : i64, tpu.core_type = #tpu.core_type<sc_vector_subcore>, window_params = [{transform_indices = #map}, {transform_indices = #map1}, {transform_indices = #map1}]} {
    %mul3A = arith.constant 16 : i32
    %mul3A_0 = arith.muli %arg0, %mul3A : i32
    %add3A = arith.addi %mul3A_0, %arg1 : i32
    %jit3A = arith.constant 8 : i32
    %div3A = arith.divsi %add3A, %jit3A : i32
    %sign3A = arith.constant 0 : i32
    %sign3A_1 = arith.cmpi sgt, %add3A, %sign3A : i32
    %sign3A_2 = arith.extui %sign3A_1 : i1 to i32
    %sign3A_3 = arith.constant 0 : i32
    %sign3A_4 = arith.cmpi slt, %add3A, %sign3A_3 : i32
    %sign3A_5 = arith.extui %sign3A_4 : i1 to i32
    %sign3A_6 = arith.subi %sign3A_2, %sign3A_5 : i32
    %sign3A_7 = arith.constant 0 : i32
    %sign3A_8 = arith.cmpi sgt, %jit3A, %sign3A_7 : i32
    %sign3A_9 = arith.extui %sign3A_8 : i1 to i32
    %sign3A_10 = arith.constant 0 : i32
    %sign3A_11 = arith.cmpi slt, %jit3A, %sign3A_10 : i32
    %sign3A_12 = arith.extui %sign3A_11 : i1 to i32
    %sign3A_13 = arith.subi %sign3A_9, %sign3A_12 : i32
    %ne3A = arith.cmpi ne, %sign3A_6, %sign3A_13 : i32
    %rem3A = arith.remsi %add3A, %jit3A : i32
    %ne3A_14 = arith.constant 0 : i32
    %ne3A_15 = arith.cmpi ne, %rem3A, %ne3A_14 : i32
    %and3A = arith.andi %ne3A, %ne3A_15 : i1
    %sub3A = arith.constant 1 : i32
    %sub3A_16 = arith.subi %div3A, %sub3A : i32
    %select_n3A = arith.select %and3A, %sub3A_16, %div3A : i32
    %mul3A_17 = arith.constant 2048 : i32
    %mul3A_18 = arith.muli %select_n3A, %mul3A_17 : i32
    %add3A_19 = arith.constant 0 : i32
    %add3A_20 = arith.addi %mul3A_18, %add3A_19 : i32
    %jit3A_21 = arith.constant 8 : i32
    %eq3A = arith.constant 0 : i32
    %eq3A_22 = arith.cmpi eq, %jit3A_21, %eq3A : i32
    %jit3A_23 = arith.constant 1 : i32
    %select_n3A_24 = arith.select %eq3A_22, %jit3A_23, %jit3A_21 : i32
    %rem3A_25 = arith.remsi %add3A, %select_n3A_24 : i32
    %ne3A_26 = arith.constant 0 : i32
    %ne3A_27 = arith.cmpi ne, %rem3A_25, %ne3A_26 : i32
    %lt3A = arith.constant 0 : i32
    %lt3A_28 = arith.cmpi slt, %rem3A_25, %lt3A : i32
    %lt3A_29 = arith.constant 0 : i32
    %lt3A_30 = arith.cmpi slt, %select_n3A_24, %lt3A_29 : i32
    %ne3A_31 = arith.xori %lt3A_28, %lt3A_30 : i1
    %and3A_32 = arith.andi %ne3A_31, %ne3A_27 : i1
    %add3A_33 = arith.addi %rem3A_25, %select_n3A_24 : i32
    %select_n3A_34 = arith.select %and3A_32, %add3A_33, %rem3A_25 : i32
    %mul3A_35 = arith.constant 128 : i32
    %mul3A_36 = arith.muli %select_n3A_34, %mul3A_35 : i32
    %add3A_37 = arith.addi %add3A_20, %mul3A_36 : i32
    %add3A_38 = arith.constant 0 : i32
    %add3A_39 = arith.addi %add3A_37, %add3A_38 : i32
    "tpu.region"() ({
      %run_scoped3A = tpu.sem_alloc : memref<!tpu.dma_semaphore, #tpu.memory_space<semaphore_mem>>
      %dma_start3A_76 = tpu.memref_slice %arg2[%add3A_39] : memref<8192xi32, #tpu.memory_space<hbm>> -> memref<64xi32, #tpu.memory_space<hbm>>
      %dma_start3A_77 = tpu.memref_slice %arg2[%add3A_39] : memref<8192xi32, #tpu.memory_space<hbm>> -> memref<64xi32, #tpu.memory_space<hbm>>
      tpu.enqueue_dma source(%dma_start3A_77 : memref<64xi32, #tpu.memory_space<hbm>>) target(%arg5 : memref<64xi32, #tpu.memory_space<vmem>>) target_semaphore(%run_scoped3A : memref<!tpu.dma_semaphore, #tpu.memory_space<semaphore_mem>>)
      %dma_wait3A_78 = tpu.memref_slice %arg2[%add3A_39] : memref<8192xi32, #tpu.memory_space<hbm>> -> memref<64xi32, #tpu.memory_space<hbm>>
      %dma_wait3A_79 = tpu.memref_slice %arg2[%add3A_39] : memref<8192xi32, #tpu.memory_space<hbm>> -> memref<64xi32, #tpu.memory_space<hbm>>
      tpu.wait_dma2 semaphore(%run_scoped3A : memref<!tpu.dma_semaphore, #tpu.memory_space<semaphore_mem>>) src(%dma_wait3A_79 : memref<64xi32, #tpu.memory_space<hbm>>) dst(%arg5 : memref<64xi32, #tpu.memory_space<vmem>>)
      tpu.yield
    }) : () -> ()
    %dma_start3A = arith.constant 0 : i32
    %dma_start3A_40 = arith.constant 0 : i32
    %dma_start3A_41 = tpu.memref_slice %arg3[%dma_start3A, %dma_start3A_40] : memref<100000x768xf32, #tpu.memory_space<hbm>> -> memref<100000x768xf32, #tpu.memory_space<hbm>>
    tpu.enqueue_indirect_dma source(%dma_start3A_41 : memref<100000x768xf32, #tpu.memory_space<hbm>>) target(%arg7 : memref<64x768xf32, #tpu.memory_space<vmem>>) offsets(%arg5 : memref<64xi32, #tpu.memory_space<vmem>>) semaphore(%arg9 : memref<!tpu.dma_semaphore, #tpu.memory_space<semaphore_mem>>)
    %add3A_42 = arith.constant 64 : i32
    %add3A_43 = arith.addi %add3A_37, %add3A_42 : i32
    "tpu.region"() ({
      %run_scoped3A = tpu.sem_alloc : memref<!tpu.dma_semaphore, #tpu.memory_space<semaphore_mem>>
      %dma_start3A_76 = tpu.memref_slice %arg2[%add3A_43] : memref<8192xi32, #tpu.memory_space<hbm>> -> memref<64xi32, #tpu.memory_space<hbm>>
      %dma_start3A_77 = tpu.memref_slice %arg2[%add3A_43] : memref<8192xi32, #tpu.memory_space<hbm>> -> memref<64xi32, #tpu.memory_space<hbm>>
      tpu.enqueue_dma source(%dma_start3A_77 : memref<64xi32, #tpu.memory_space<hbm>>) target(%arg6 : memref<64xi32, #tpu.memory_space<vmem>>) target_semaphore(%run_scoped3A : memref<!tpu.dma_semaphore, #tpu.memory_space<semaphore_mem>>)
      %dma_wait3A_78 = tpu.memref_slice %arg2[%add3A_43] : memref<8192xi32, #tpu.memory_space<hbm>> -> memref<64xi32, #tpu.memory_space<hbm>>
      %dma_wait3A_79 = tpu.memref_slice %arg2[%add3A_43] : memref<8192xi32, #tpu.memory_space<hbm>> -> memref<64xi32, #tpu.memory_space<hbm>>
      tpu.wait_dma2 semaphore(%run_scoped3A : memref<!tpu.dma_semaphore, #tpu.memory_space<semaphore_mem>>) src(%dma_wait3A_79 : memref<64xi32, #tpu.memory_space<hbm>>) dst(%arg6 : memref<64xi32, #tpu.memory_space<vmem>>)
      tpu.yield
    }) : () -> ()
    %dma_start3A_44 = arith.constant 0 : i32
    %dma_start3A_45 = arith.constant 0 : i32
    %dma_start3A_46 = tpu.memref_slice %arg3[%dma_start3A_44, %dma_start3A_45] : memref<100000x768xf32, #tpu.memory_space<hbm>> -> memref<100000x768xf32, #tpu.memory_space<hbm>>
    tpu.enqueue_indirect_dma source(%dma_start3A_46 : memref<100000x768xf32, #tpu.memory_space<hbm>>) target(%arg8 : memref<64x768xf32, #tpu.memory_space<vmem>>) offsets(%arg6 : memref<64xi32, #tpu.memory_space<vmem>>) semaphore(%arg10 : memref<!tpu.dma_semaphore, #tpu.memory_space<semaphore_mem>>)
    %dma_wait3A = arith.constant 0 : i32
    %dma_wait3A_47 = arith.constant 0 : i32
    %dma_wait3A_48 = tpu.memref_slice %arg3[%dma_wait3A, %dma_wait3A_47] : memref<100000x768xf32, #tpu.memory_space<hbm>> -> memref<100000x768xf32, #tpu.memory_space<hbm>>
    tpu.wait_indirect_dma semaphore(%arg9 : memref<!tpu.dma_semaphore, #tpu.memory_space<semaphore_mem>>) src(%dma_wait3A_48 : memref<100000x768xf32, #tpu.memory_space<hbm>>) dst(%arg7 : memref<64x768xf32, #tpu.memory_space<vmem>>)
    %mul3A_49 = arith.constant 128 : i32
    %mul3A_50 = arith.muli %add3A, %mul3A_49 : i32
    %add3A_51 = arith.constant 0 : i32
    %add3A_52 = arith.addi %mul3A_50, %add3A_51 : i32
    %dma_start3A_53 = arith.constant 0 : i32
    %dma_start3A_54 = tpu.memref_slice %arg4[%add3A_52, %dma_start3A_53] : memref<4096x768xf32, #tpu.memory_space<hbm>> -> memref<64x768xf32, #tpu.memory_space<hbm>>
    %dma_start3A_55 = arith.constant 0 : i32
    %dma_start3A_56 = tpu.memref_slice %arg4[%add3A_52, %dma_start3A_55] : memref<4096x768xf32, #tpu.memory_space<hbm>> -> memref<64x768xf32, #tpu.memory_space<hbm>>
    tpu.enqueue_dma source(%arg7 : memref<64x768xf32, #tpu.memory_space<vmem>>) target(%dma_start3A_56 : memref<64x768xf32, #tpu.memory_space<hbm>>) target_semaphore(%arg11 : memref<!tpu.dma_semaphore, #tpu.memory_space<semaphore_mem>>)
    %dma_wait3A_57 = arith.constant 0 : i32
    %dma_wait3A_58 = arith.constant 0 : i32
    %dma_wait3A_59 = tpu.memref_slice %arg3[%dma_wait3A_57, %dma_wait3A_58] : memref<100000x768xf32, #tpu.memory_space<hbm>> -> memref<100000x768xf32, #tpu.memory_space<hbm>>
    tpu.wait_indirect_dma semaphore(%arg10 : memref<!tpu.dma_semaphore, #tpu.memory_space<semaphore_mem>>) src(%dma_wait3A_59 : memref<100000x768xf32, #tpu.memory_space<hbm>>) dst(%arg8 : memref<64x768xf32, #tpu.memory_space<vmem>>)
    %mul3A_60 = arith.constant 128 : i32
    %mul3A_61 = arith.muli %add3A, %mul3A_60 : i32
    %add3A_62 = arith.constant 64 : i32
    %add3A_63 = arith.addi %mul3A_61, %add3A_62 : i32
    %dma_start3A_64 = arith.constant 0 : i32
    %dma_start3A_65 = tpu.memref_slice %arg4[%add3A_63, %dma_start3A_64] : memref<4096x768xf32, #tpu.memory_space<hbm>> -> memref<64x768xf32, #tpu.memory_space<hbm>>
    %dma_start3A_66 = arith.constant 0 : i32
    %dma_start3A_67 = tpu.memref_slice %arg4[%add3A_63, %dma_start3A_66] : memref<4096x768xf32, #tpu.memory_space<hbm>> -> memref<64x768xf32, #tpu.memory_space<hbm>>
    tpu.enqueue_dma source(%arg8 : memref<64x768xf32, #tpu.memory_space<vmem>>) target(%dma_start3A_67 : memref<64x768xf32, #tpu.memory_space<hbm>>) target_semaphore(%arg12 : memref<!tpu.dma_semaphore, #tpu.memory_space<semaphore_mem>>)
    %dma_wait3A_68 = arith.constant 0 : i32
    %dma_wait3A_69 = tpu.memref_slice %arg4[%add3A_52, %dma_wait3A_68] : memref<4096x768xf32, #tpu.memory_space<hbm>> -> memref<64x768xf32, #tpu.memory_space<hbm>>
    %dma_wait3A_70 = arith.constant 0 : i32
    %dma_wait3A_71 = tpu.memref_slice %arg4[%add3A_52, %dma_wait3A_70] : memref<4096x768xf32, #tpu.memory_space<hbm>> -> memref<64x768xf32, #tpu.memory_space<hbm>>
    tpu.wait_dma2 semaphore(%arg11 : memref<!tpu.dma_semaphore, #tpu.memory_space<semaphore_mem>>) src(%arg7 : memref<64x768xf32, #tpu.memory_space<vmem>>) dst(%dma_wait3A_71 : memref<64x768xf32, #tpu.memory_space<hbm>>)
    %dma_wait3A_72 = arith.constant 0 : i32
    %dma_wait3A_73 = tpu.memref_slice %arg4[%add3A_63, %dma_wait3A_72] : memref<4096x768xf32, #tpu.memory_space<hbm>> -> memref<64x768xf32, #tpu.memory_space<hbm>>
    %dma_wait3A_74 = arith.constant 0 : i32
    %dma_wait3A_75 = tpu.memref_slice %arg4[%add3A_63, %dma_wait3A_74] : memref<4096x768xf32, #tpu.memory_space<hbm>> -> memref<64x768xf32, #tpu.memory_space<hbm>>
    tpu.wait_dma2 semaphore(%arg12 : memref<!tpu.dma_semaphore, #tpu.memory_space<semaphore_mem>>) src(%arg8 : memref<64x768xf32, #tpu.memory_space<vmem>>) dst(%dma_wait3A_75 : memref<64x768xf32, #tpu.memory_space<hbm>>)
    return
  }
}

module attributes {stable_mosaic.version = 14 : i64} {
  func.func @_tc_body_first(%arg0: i32, %arg1: i32, %arg2: memref<1024x768xf32, #tpu.memory_space<vmem>>, %arg3: memref<1024x768xf32, #tpu.memory_space<vmem>>, %arg4: memref<1024x1xf32, #tpu.memory_space<vmem>>, %arg5: memref<2x768xf32, #tpu.memory_space<vmem>>, %arg6: memref<1x768xf32, #tpu.memory_space<vmem>>, %arg7: memref<1x768xf32, #tpu.memory_space<vmem>>, %arg8: memref<1024x768xf32, #tpu.memory_space<vmem>>) attributes {dimension_semantics = [#tpu.dimension_semantics<arbitrary>, #tpu.dimension_semantics<arbitrary>], iteration_bounds = array<i64: 1, 4>, scalar_prefetch = 0 : i64, scratch_operands = 0 : i64, tpu.core_type = #tpu.core_type<tc>, window_params = [{transform_indices = @transform_0, window_bounds = array<i64: 1024, 768>}, {transform_indices = @transform_1, window_bounds = array<i64: 1024, 768>}, {transform_indices = @transform_2, window_bounds = array<i64: 1024, 1>}, {pipeline_mode = #tpu.pipeline_mode<synchronous>, transform_indices = @transform_3, window_bounds = array<i64: 2, 768>}, {pipeline_mode = #tpu.pipeline_mode<synchronous>, transform_indices = @transform_4, window_bounds = array<i64: 1, 768>}, {pipeline_mode = #tpu.pipeline_mode<synchronous>, transform_indices = @transform_5, window_bounds = array<i64: 1, 768>}, {transform_indices = @transform_6, window_bounds = array<i64: 1024, 768>}]} {
    %get3A = arith.constant 0 : index
    %get3A_0 = arith.constant 0 : index
    %get3A_1 = vector.load %arg2[%get3A, %get3A_0] : memref<1024x768xf32, #tpu.memory_space<vmem>>, vector<1024x768xf32>
    %get3A_2 = arith.constant 0 : index
    %get3A_3 = arith.constant 0 : index
    %get3A_4 = vector.load %arg3[%get3A_2, %get3A_3] : memref<1024x768xf32, #tpu.memory_space<vmem>>, vector<1024x768xf32>
    %add3A = arith.addf %get3A_1, %get3A_4 : vector<1024x768xf32>
    %get3A_5 = arith.constant 0 : index
    %get3A_6 = arith.constant 0 : index
    %get3A_7 = vector.load %arg4[%get3A_5, %get3A_6] : memref<1024x1xf32, #tpu.memory_space<vmem>>, vector<1024x1xf32>
    %get3A_8 = arith.constant 0 : index
    %get3A_9 = arith.constant 0 : index
    %get3A_10 = vector.load %arg6[%get3A_8, %get3A_9] : memref<1x768xf32, #tpu.memory_space<vmem>>, vector<1x768xf32>
    %get3A_11 = arith.constant 0 : index
    %get3A_12 = arith.constant 0 : index
    %get3A_13 = vector.load %arg7[%get3A_11, %get3A_12] : memref<1x768xf32, #tpu.memory_space<vmem>>, vector<1x768xf32>
    %get3A_14 = arith.constant 0 : index
    %get3A_15 = arith.constant 0 : index
    %get3A_16 = vector.load %arg5[%get3A_14, %get3A_15] : memref<2x768xf32, #tpu.memory_space<vmem>>, vector<1x768xf32>
    %get3A_17 = arith.constant 1 : index
    %get3A_18 = arith.constant 0 : index
    %get3A_19 = vector.load %arg5[%get3A_17, %get3A_18] : memref<2x768xf32, #tpu.memory_space<vmem>>, vector<1x768xf32>
    %sub3A = arith.subf %get3A_19, %get3A_16 : vector<1x768xf32>
    %add3A_20 = vector.broadcast %get3A_16 : vector<1x768xf32> to vector<1024x768xf32>
    %add3A_21 = arith.addf %add3A, %add3A_20 : vector<1024x768xf32>
    %mul3A = vector.broadcast %get3A_7 : vector<1024x1xf32> to vector<1024x768xf32>
    %mul3A_22 = vector.broadcast %sub3A : vector<1x768xf32> to vector<1024x768xf32>
    %mul3A_23 = arith.mulf %mul3A, %mul3A_22 : vector<1024x768xf32>
    %add3A_24 = arith.addf %add3A_21, %mul3A_23 : vector<1024x768xf32>
    %reduce_sum3A = arith.constant dense<0.000000e+00> : vector<1024xf32>
    %reduce_sum3A_25 = vector.multi_reduction <add>, %add3A_24, %reduce_sum3A [1] : vector<1024x768xf32> to vector<1024xf32>
    %broadcast_in_dim3A = vector.shape_cast %reduce_sum3A_25 : vector<1024xf32> to vector<1024x1xf32>
    %div3A = arith.constant 7.680000e+02 : f32
    %div3A_26 = vector.broadcast %div3A : f32 to vector<1024x1xf32>
    %div3A_27 = arith.divf %broadcast_in_dim3A, %div3A_26 : vector<1024x1xf32>
    %sub3A_28 = vector.broadcast %div3A_27 : vector<1024x1xf32> to vector<1024x768xf32>
    %sub3A_29 = arith.subf %add3A_24, %sub3A_28 : vector<1024x768xf32>
    %mul3A_30 = arith.mulf %sub3A_29, %sub3A_29 : vector<1024x768xf32>
    %reduce_sum3A_31 = arith.constant dense<0.000000e+00> : vector<1024xf32>
    %reduce_sum3A_32 = vector.multi_reduction <add>, %mul3A_30, %reduce_sum3A_31 [1] : vector<1024x768xf32> to vector<1024xf32>
    %broadcast_in_dim3A_33 = vector.shape_cast %reduce_sum3A_32 : vector<1024xf32> to vector<1024x1xf32>
    %div3A_34 = arith.constant 7.680000e+02 : f32
    %div3A_35 = vector.broadcast %div3A_34 : f32 to vector<1024x1xf32>
    %div3A_36 = arith.divf %broadcast_in_dim3A_33, %div3A_35 : vector<1024x1xf32>
    %add3A_37 = arith.constant 9.99999996E-13 : f32
    %add3A_38 = vector.broadcast %add3A_37 : f32 to vector<1024x1xf32>
    %add3A_39 = arith.addf %div3A_36, %add3A_38 : vector<1024x1xf32>
    %rsqrt3A = math.rsqrt %add3A_39 : vector<1024x1xf32>
    %mul3A_40 = vector.broadcast %rsqrt3A : vector<1024x1xf32> to vector<1024x768xf32>
    %mul3A_41 = arith.mulf %sub3A_29, %mul3A_40 : vector<1024x768xf32>
    %mul3A_42 = vector.broadcast %get3A_10 : vector<1x768xf32> to vector<1024x768xf32>
    %mul3A_43 = arith.mulf %mul3A_41, %mul3A_42 : vector<1024x768xf32>
    %add3A_44 = vector.broadcast %get3A_13 : vector<1x768xf32> to vector<1024x768xf32>
    %add3A_45 = arith.addf %mul3A_43, %add3A_44 : vector<1024x768xf32>
    %swap3A = arith.constant 0 : index
    %swap3A_46 = arith.constant 0 : index
    %swap3A_47 = vector.load %arg8[%swap3A, %swap3A_46] : memref<1024x768xf32, #tpu.memory_space<vmem>>, vector<1024x768xf32>
    tpu.vector_store %arg8[%swap3A, %swap3A_46], %add3A_45 {strides = array<i32>} : memref<1024x768xf32, #tpu.memory_space<vmem>>, vector<1024x768xf32>,
    return
  }
  func.func @transform_0(%arg0: i32, %arg1: i32) -> (i32, i32) {
    %mul3A = arith.constant 1 : i32
    %mul3A_0 = arith.muli %arg1, %mul3A : i32
    %add3A = arith.addi %mul3A_0, %arg0 : i32
    %c0_i32 = arith.constant 0 : i32
    %c0_i32_1 = arith.constant 0 : i32
    return %add3A, %c0_i32 : i32, i32
  }
  func.func @transform_1(%arg0: i32, %arg1: i32) -> (i32, i32) {
    %add3A = arith.constant 0 : i32
    %add3A_0 = arith.addi %add3A, %arg0 : i32
    %c0_i32 = arith.constant 0 : i32
    %c0_i32_1 = arith.constant 0 : i32
    return %add3A_0, %c0_i32 : i32, i32
  }
  func.func @transform_2(%arg0: i32, %arg1: i32) -> (i32, i32) {
    %mul3A = arith.constant 2 : i32
    %mul3A_0 = arith.muli %arg1, %mul3A : i32
    %add3A = arith.constant 0 : i32
    %add3A_1 = arith.addi %mul3A_0, %add3A : i32
    %mul3A_2 = arith.constant 1 : i32
    %mul3A_3 = arith.muli %add3A_1, %mul3A_2 : i32
    %add3A_4 = arith.addi %mul3A_3, %arg0 : i32
    %c0_i32 = arith.constant 0 : i32
    %c0_i32_5 = arith.constant 0 : i32
    return %add3A_4, %c0_i32 : i32, i32
  }
  func.func @transform_3(%arg0: i32, %arg1: i32) -> (i32, i32) {
    %c0_i32 = arith.constant 0 : i32
    %c0_i32_0 = arith.constant 0 : i32
    %c0_i32_1 = arith.constant 0 : i32
    return %c0_i32, %c0_i32_0 : i32, i32
  }
  func.func @transform_4(%arg0: i32, %arg1: i32) -> (i32, i32) {
    %c0_i32 = arith.constant 0 : i32
    %c0_i32_0 = arith.constant 0 : i32
    %c0_i32_1 = arith.constant 0 : i32
    return %c0_i32, %c0_i32_0 : i32, i32
  }
  func.func @transform_5(%arg0: i32, %arg1: i32) -> (i32, i32) {
    %c0_i32 = arith.constant 0 : i32
    %c0_i32_0 = arith.constant 0 : i32
    %c0_i32_1 = arith.constant 0 : i32
    return %c0_i32, %c0_i32_0 : i32, i32
  }
  func.func @transform_6(%arg0: i32, %arg1: i32) -> (i32, i32) {
    %mul3A = arith.constant 2 : i32
    %mul3A_0 = arith.muli %arg1, %mul3A : i32
    %add3A = arith.constant 0 : i32
    %add3A_1 = arith.addi %mul3A_0, %add3A : i32
    %mul3A_2 = arith.constant 1 : i32
    %mul3A_3 = arith.muli %add3A_1, %mul3A_2 : i32
    %add3A_4 = arith.addi %mul3A_3, %arg0 : i32
    %c0_i32 = arith.constant 0 : i32
    %c0_i32_5 = arith.constant 0 : i32
    return %add3A_4, %c0_i32 : i32, i32
  }
}

module attributes {stable_mosaic.version = 14 : i64} {
  func.func @_tc_body_second(%arg0: i32, %arg1: i32, %arg2: memref<8192x768xf32, #tpu.memory_space<any>>, %arg3: memref<1024x768xf32, #tpu.memory_space<vmem>>, %arg4: memref<1024x768xf32, #tpu.memory_space<vmem>>, %arg5: memref<1024x1xf32, #tpu.memory_space<vmem>>, %arg6: memref<2x768xf32, #tpu.memory_space<vmem>>, %arg7: memref<1x768xf32, #tpu.memory_space<vmem>>, %arg8: memref<1x768xf32, #tpu.memory_space<vmem>>, %arg9: memref<1024x768xf32, #tpu.memory_space<vmem>>) attributes {dimension_semantics = [#tpu.dimension_semantics<arbitrary>, #tpu.dimension_semantics<arbitrary>], iteration_bounds = array<i64: 1, 4>, scalar_prefetch = 0 : i64, scratch_operands = 0 : i64, tpu.core_type = #tpu.core_type<tc>, window_params = [{}, {transform_indices = @transform_1, window_bounds = array<i64: 1024, 768>}, {transform_indices = @transform_2, window_bounds = array<i64: 1024, 768>}, {transform_indices = @transform_3, window_bounds = array<i64: 1024, 1>}, {pipeline_mode = #tpu.pipeline_mode<synchronous>, transform_indices = @transform_4, window_bounds = array<i64: 2, 768>}, {pipeline_mode = #tpu.pipeline_mode<synchronous>, transform_indices = @transform_5, window_bounds = array<i64: 1, 768>}, {pipeline_mode = #tpu.pipeline_mode<synchronous>, transform_indices = @transform_6, window_bounds = array<i64: 1, 768>}, {transform_indices = @transform_7, window_bounds = array<i64: 1024, 768>}]} {
    %get3A = arith.constant 0 : index
    %get3A_0 = arith.constant 0 : index
    %get3A_1 = vector.load %arg3[%get3A, %get3A_0] : memref<1024x768xf32, #tpu.memory_space<vmem>>, vector<1024x768xf32>
    %get3A_2 = arith.constant 0 : index
    %get3A_3 = arith.constant 0 : index
    %get3A_4 = vector.load %arg4[%get3A_2, %get3A_3] : memref<1024x768xf32, #tpu.memory_space<vmem>>, vector<1024x768xf32>
    %add3A = arith.addf %get3A_1, %get3A_4 : vector<1024x768xf32>
    %get3A_5 = arith.constant 0 : index
    %get3A_6 = arith.constant 0 : index
    %get3A_7 = vector.load %arg5[%get3A_5, %get3A_6] : memref<1024x1xf32, #tpu.memory_space<vmem>>, vector<1024x1xf32>
    %get3A_8 = arith.constant 0 : index
    %get3A_9 = arith.constant 0 : index
    %get3A_10 = vector.load %arg7[%get3A_8, %get3A_9] : memref<1x768xf32, #tpu.memory_space<vmem>>, vector<1x768xf32>
    %get3A_11 = arith.constant 0 : index
    %get3A_12 = arith.constant 0 : index
    %get3A_13 = vector.load %arg8[%get3A_11, %get3A_12] : memref<1x768xf32, #tpu.memory_space<vmem>>, vector<1x768xf32>
    %get3A_14 = arith.constant 0 : index
    %get3A_15 = arith.constant 0 : index
    %get3A_16 = vector.load %arg6[%get3A_14, %get3A_15] : memref<2x768xf32, #tpu.memory_space<vmem>>, vector<1x768xf32>
    %get3A_17 = arith.constant 1 : index
    %get3A_18 = arith.constant 0 : index
    %get3A_19 = vector.load %arg6[%get3A_17, %get3A_18] : memref<2x768xf32, #tpu.memory_space<vmem>>, vector<1x768xf32>
    %sub3A = arith.subf %get3A_19, %get3A_16 : vector<1x768xf32>
    %add3A_20 = vector.broadcast %get3A_16 : vector<1x768xf32> to vector<1024x768xf32>
    %add3A_21 = arith.addf %add3A, %add3A_20 : vector<1024x768xf32>
    %mul3A = vector.broadcast %get3A_7 : vector<1024x1xf32> to vector<1024x768xf32>
    %mul3A_22 = vector.broadcast %sub3A : vector<1x768xf32> to vector<1024x768xf32>
    %mul3A_23 = arith.mulf %mul3A, %mul3A_22 : vector<1024x768xf32>
    %add3A_24 = arith.addf %add3A_21, %mul3A_23 : vector<1024x768xf32>
    %reduce_sum3A = arith.constant dense<0.000000e+00> : vector<1024xf32>
    %reduce_sum3A_25 = vector.multi_reduction <add>, %add3A_24, %reduce_sum3A [1] : vector<1024x768xf32> to vector<1024xf32>
    %broadcast_in_dim3A = vector.shape_cast %reduce_sum3A_25 : vector<1024xf32> to vector<1024x1xf32>
    %div3A = arith.constant 7.680000e+02 : f32
    %div3A_26 = vector.broadcast %div3A : f32 to vector<1024x1xf32>
    %div3A_27 = arith.divf %broadcast_in_dim3A, %div3A_26 : vector<1024x1xf32>
    %sub3A_28 = vector.broadcast %div3A_27 : vector<1024x1xf32> to vector<1024x768xf32>
    %sub3A_29 = arith.subf %add3A_24, %sub3A_28 : vector<1024x768xf32>
    %mul3A_30 = arith.mulf %sub3A_29, %sub3A_29 : vector<1024x768xf32>
    %reduce_sum3A_31 = arith.constant dense<0.000000e+00> : vector<1024xf32>
    %reduce_sum3A_32 = vector.multi_reduction <add>, %mul3A_30, %reduce_sum3A_31 [1] : vector<1024x768xf32> to vector<1024xf32>
    %broadcast_in_dim3A_33 = vector.shape_cast %reduce_sum3A_32 : vector<1024xf32> to vector<1024x1xf32>
    %div3A_34 = arith.constant 7.680000e+02 : f32
    %div3A_35 = vector.broadcast %div3A_34 : f32 to vector<1024x1xf32>
    %div3A_36 = arith.divf %broadcast_in_dim3A_33, %div3A_35 : vector<1024x1xf32>
    %add3A_37 = arith.constant 9.99999996E-13 : f32
    %add3A_38 = vector.broadcast %add3A_37 : f32 to vector<1024x1xf32>
    %add3A_39 = arith.addf %div3A_36, %add3A_38 : vector<1024x1xf32>
    %rsqrt3A = math.rsqrt %add3A_39 : vector<1024x1xf32>
    %mul3A_40 = vector.broadcast %rsqrt3A : vector<1024x1xf32> to vector<1024x768xf32>
    %mul3A_41 = arith.mulf %sub3A_29, %mul3A_40 : vector<1024x768xf32>
    %mul3A_42 = vector.broadcast %get3A_10 : vector<1x768xf32> to vector<1024x768xf32>
    %mul3A_43 = arith.mulf %mul3A_41, %mul3A_42 : vector<1024x768xf32>
    %add3A_44 = vector.broadcast %get3A_13 : vector<1x768xf32> to vector<1024x768xf32>
    %add3A_45 = arith.addf %mul3A_43, %add3A_44 : vector<1024x768xf32>
    %swap3A = arith.constant 0 : index
    %swap3A_46 = arith.constant 0 : index
    %swap3A_47 = vector.load %arg9[%swap3A, %swap3A_46] : memref<1024x768xf32, #tpu.memory_space<vmem>>, vector<1024x768xf32>
    tpu.vector_store %arg9[%swap3A, %swap3A_46], %add3A_45 {strides = array<i32>} : memref<1024x768xf32, #tpu.memory_space<vmem>>, vector<1024x768xf32>,
    return
  }
  func.func @transform_1(%arg0: i32, %arg1: i32) -> (i32, i32) {
    %mul3A = arith.constant 1 : i32
    %mul3A_0 = arith.muli %arg1, %mul3A : i32
    %add3A = arith.addi %mul3A_0, %arg0 : i32
    %c0_i32 = arith.constant 0 : i32
    %c0_i32_1 = arith.constant 0 : i32
    return %add3A, %c0_i32 : i32, i32
  }
  func.func @transform_2(%arg0: i32, %arg1: i32) -> (i32, i32) {
    %add3A = arith.constant 1 : i32
    %add3A_0 = arith.addi %add3A, %arg0 : i32
    %c0_i32 = arith.constant 0 : i32
    %c0_i32_1 = arith.constant 0 : i32
    return %add3A_0, %c0_i32 : i32, i32
  }
  func.func @transform_3(%arg0: i32, %arg1: i32) -> (i32, i32) {
    %mul3A = arith.constant 2 : i32
    %mul3A_0 = arith.muli %arg1, %mul3A : i32
    %add3A = arith.constant 1 : i32
    %add3A_1 = arith.addi %mul3A_0, %add3A : i32
    %mul3A_2 = arith.constant 1 : i32
    %mul3A_3 = arith.muli %add3A_1, %mul3A_2 : i32
    %add3A_4 = arith.addi %mul3A_3, %arg0 : i32
    %c0_i32 = arith.constant 0 : i32
    %c0_i32_5 = arith.constant 0 : i32
    return %add3A_4, %c0_i32 : i32, i32
  }
  func.func @transform_4(%arg0: i32, %arg1: i32) -> (i32, i32) {
    %c0_i32 = arith.constant 0 : i32
    %c0_i32_0 = arith.constant 0 : i32
    %c0_i32_1 = arith.constant 0 : i32
    return %c0_i32, %c0_i32_0 : i32, i32
  }
  func.func @transform_5(%arg0: i32, %arg1: i32) -> (i32, i32) {
    %c0_i32 = arith.constant 0 : i32
    %c0_i32_0 = arith.constant 0 : i32
    %c0_i32_1 = arith.constant 0 : i32
    return %c0_i32, %c0_i32_0 : i32, i32
  }
  func.func @transform_6(%arg0: i32, %arg1: i32) -> (i32, i32) {
    %c0_i32 = arith.constant 0 : i32
    %c0_i32_0 = arith.constant 0 : i32
    %c0_i32_1 = arith.constant 0 : i32
    return %c0_i32, %c0_i32_0 : i32, i32
  }
  func.func @transform_7(%arg0: i32, %arg1: i32) -> (i32, i32) {
    %mul3A = arith.constant 2 : i32
    %mul3A_0 = arith.muli %arg1, %mul3A : i32
    %add3A = arith.constant 1 : i32
    %add3A_1 = arith.addi %mul3A_0, %add3A : i32
    %mul3A_2 = arith.constant 1 : i32
    %mul3A_3 = arith.muli %add3A_1, %mul3A_2 : i32
    %add3A_4 = arith.addi %mul3A_3, %arg0 : i32
    %c0_i32 = arith.constant 0 : i32
    %c0_i32_5 = arith.constant 0 : i32
    return %add3A_4, %c0_i32 : i32, i32
  }
}

</mosaic_0001>

<sc_bundles>
// kernel: _run.6.cloned.1.call-start
scs
__scs_entry_jumppad:
0x0: {  	(pc) =	sbr.rel $0x88, $3  }
0x1: {  	(tag) =	ssettag $0x0;
	lr =	simm.s32 $0x1  }
0x2: {  	[smem:$0x3F9A] =	sst lr;
	_ =	strace $0xD0000000  }
0x3: {  	_ = 	snop  }
0x4: {  	_ = 	snop  }
0x5: {  	_ = 	snop  }
0x6: {  	_ = 	snop  }
0x7: {  	_ = 	snop  }
__scs_overlays_trampoline_lowered:
0x8: {  	[smem:$0x3FA9] =	sst s0  }
0x9: {  	[smem:$0x3FAA] =	sst s1  }
0xa: {  	[smem:$0x3FAB] =	sst s2  }
0xb: {  	[smem:$0x3FAC] =	sst s3  }
0xc: {  	[smem:$0x3FAD] =	sst s4  }
0xd: {  	[smem:$0x3FAE] =	sst s5  }
0xe: {  	[smem:$0x3FAF] =	sst s6  }
0xf: {  	[smem:$0x3FB0] =	sst s7  }
0x10: {  	[smem:$0x3FB1] =	sst s8  }
0x11: {  	[smem:$0x3FB2] =	sst s9;
	s0 =	simm.s32 @!p0 $0x0  }
0x12: {  	s1 =	sld [smem:$0x3F98];
	s0 =	simm.s32 @p0 $0x1  }
0x13: {  	[smem:$0x3FB3] =	sst s0;
	s0 =	simm.s32 @!p1 $0x0  }
0x14: {  	s2 =	sld [smem:$0x3F97];
	s0 =	simm.s32 @p1 $0x1  }
0x15: {  	[smem:$0x3FB4] =	sst s0;
	s0 =	simm.s32 @!p2 $0x0  }
0x16: {  	s3 =	sld [smem:$0x3FDB];
	s0 =	simm.s32 @p2 $0x1  }
0x17: {  	s4 =	simm.s32 $0x1BF5;
	[smem:$0x3FB6] =	sst s0  }
0x18: {  	s0 =	sld [smem:$0x3F99];
	_ =	swait.ge [sflag:s4], $0x0  }
0x19: {  	s7 =	sld [smem:$0x3F9A]  }
0x1a: {  	s8 =	sadd.s32 $0xFFFFE003, lr  }
0x1b: {  	s9 =	sadd.s32 $0xFFFFFEF7, lr;
	s5 =	simm.s32 $0xFFFFFFFF;
	p2 =	slt.u32 s8, $0xFFFFF086  }
0x1c: {  	p1 =	slt.u32 s9, $0xF7A;
	s5 =	simm.s32 @!p2 $0x0  }
0x1d: {  	s5 =	simm.s32 @p1 $0x1;
	p0 =	seq.s32 s7, s2  }
0x1e: {  	s7 =	smul.u32 @!p0 $0xF7A, s2;
	p2 =	seq.s32 @!p0 s5, $0x0  }
0x1f: {  	s9 =	smul.u32 $0xF7A, s1;
	s8 =	simm.s32 @!p0 $0x1BF5;
	p2 =	por !p2, p0  }
0x20: {  	[sflag:s8] =	ssyncset.s32 @!p0 $0xFFFFF086;
	s6 =	sadd.s32 @!p0 s3, s7;
	s7 =	simm.s32 @!p0 $0x108  }
0x21: {  	s3 =	sadd.s32 s3, s9;
	s6 =	sadd.s32 @!p0 $0x88, s6;
	s7 =	simm.s32 @p2 $0x1082  }
0x22: {  	[simem:s7], [sflag:s8] =	dma.local @!p0 [hbm:s6], $0xF7A  }
0x23: {  	s9 =	sor.u32 $0xD0000000, s2;
	s6 =	simm.s32 $0x108;
	_ =	swait.ge @!p0 [sflag:s8], $0x0  }
0x24: {  	s3 =	sadd.s32 $0x88, s3;
	s6 =	simm.s32 @!p1 $0x1082;
	[sflag:s4] =	ssyncset.s32 $0xFFFFF086  }
0x25: {  	[simem:s6], [sflag:s4] =	dma.local [hbm:s3], $0xF7A  }
0x26: {  	[smem:$0x3F9A] =	sst s1;
	(tag) =	ssettag s2;
	_ =	strace s9  }
0x27: {  	s1 =	sld [smem:$0x3FAA]  }
0x28: {  	s2 =	sld [smem:$0x3FAB]  }
0x29: {  	s4 =	sld [smem:$0x3FAD]  }
0x2a: {  	p0 =	seq.s32 s5, $0x0;
	s5 =	sld [smem:$0x3FAE]  }
0x2b: {  	s6 =	sld [smem:$0x3FAF]  }
0x2c: {  	s7 =	sld [smem:$0x3FB0]  }
0x2d: {  	s3 =	simm.s32 $0x108;
	s8 =	sld [smem:$0x3FB1]  }
0x2e: {  	s3 =	simm.s32 @!p0 $0x1082;
	s9 =	sld [smem:$0x3FB2]  }
0x2f: {  	lr =	sadd.s32 s0, s3;
	s0 =	sld [smem:$0x3FA9]  }
0x30: {  	s3 =	sld [smem:$0x3FAC]  }
0x31: {  	[smem:$0x3FB5] =	sst s10  }
0x32: {  	s10 =	sld [smem:$0x3FB3];
	_ =	sdelay $0x3  }
0x33: {  	p0 =	seq.s32 s10, $0x1;
	s10 =	sld [smem:$0x3FB5];
	_ =	sdelay $0x3  }
0x34: {  	[smem:$0x3FB5] =	sst s10  }
0x35: {  	s10 =	sld [smem:$0x3FB4];
	_ =	sdelay $0x3  }
0x36: {  	p1 =	seq.s32 s10, $0x1;
	s10 =	sld [smem:$0x3FB5];
	_ =	sdelay $0x3  }
0x37: {  	[smem:$0x3FB5] =	sst s10  }
0x38: {  	s10 =	sld [smem:$0x3FB6]  }
0x39: {  	_ = 	snop;
	(pc) =	sbr.ind lr, $3  }
0x3a: {  	_ = 	snop  }
0x3b: {  	_ = 	snop  }
0x3c: {  	p2 =	seq.s32 s10, $0x1;
	s10 =	sld [smem:$0x3FB5]  }
0x3d: {  	_ =	shalt  }
0x3e: {  	_ =	shalt  }
0x3f: {  	_ =	shalt  }
0x40: {  	_ =	shalt  }
0x41: {  	_ =	shalt  }
0x42: {  	_ =	shalt  }
0x43: {  	_ =	shalt  }
0x44: {  	_ =	shalt  }
0x45: {  	_ =	shalt  }
0x46: {  	_ =	shalt  }
0x47: {  	_ =	shalt  }
0x48: {  	_ =	shalt  }
0x49: {  	_ =	shalt  }
0x4a: {  	_ =	shalt  }
0x4b: {  	_ =	shalt  }
0x4c: {  	_ =	shalt  }
0x4d: {  	_ =	shalt  }
0x4e: {  	_ =	shalt  }
0x4f: {  	_ =	shalt  }
0x50: {  	_ =	shalt  }
0x51: {  	_ =	shalt  }
0x52: {  	_ =	shalt  }
0x53: {  	_ =	shalt  }
0x54: {  	_ =	shalt  }
0x55: {  	_ =	shalt  }
0x56: {  	_ =	shalt  }
0x57: {  	_ =	shalt  }
0x58: {  	_ =	shalt  }
0x59: {  	_ =	shalt  }
0x5a: {  	_ =	shalt  }
0x5b: {  	_ =	shalt  }
0x5c: {  	_ =	shalt  }
0x5d: {  	_ =	shalt  }
0x5e: {  	_ =	shalt  }
0x5f: {  	_ =	shalt  }
0x60: {  	_ =	shalt  }
0x61: {  	_ =	shalt  }
0x62: {  	_ =	shalt  }
0x63: {  	_ =	shalt  }
0x64: {  	_ =	shalt  }
0x65: {  	_ =	shalt  }
0x66: {  	_ =	shalt  }
0x67: {  	_ =	shalt  }
0x68: {  	_ =	shalt  }
0x69: {  	_ =	shalt  }
0x6a: {  	_ =	shalt  }
0x6b: {  	_ =	shalt  }
0x6c: {  	_ =	shalt  }
0x6d: {  	_ =	shalt  }
0x6e: {  	_ =	shalt  }
0x6f: {  	_ =	shalt  }
0x70: {  	_ =	shalt  }
0x71: {  	_ =	shalt  }
0x72: {  	_ =	shalt  }
0x73: {  	_ =	shalt  }
0x74: {  	_ =	shalt  }
0x75: {  	_ =	shalt  }
0x76: {  	_ =	shalt  }
0x77: {  	_ =	shalt  }
0x78: {  	_ =	shalt  }
0x79: {  	_ =	shalt  }
0x7a: {  	_ =	shalt  }
0x7b: {  	_ =	shalt  }
0x7c: {  	_ =	shalt  }
0x7d: {  	_ =	shalt  }
0x7e: {  	_ =	shalt  }
0x7f: {  	_ =	shalt  }
0x80: {  	_ =	shalt  }
0x81: {  	_ =	shalt  }
0x82: {  	_ =	shalt  }
0x83: {  	_ =	shalt  }
0x84: {  	_ =	shalt  }
0x85: {  	_ =	shalt  }
0x86: {  	_ =	shalt  }
0x87: {  	_ =	shalt  }
.Lfunc_end0:
.L_simem_size_0:
called_computation_lowered:
.L_overlay_start_0:
0x88: {  	s2 =	sld [smem:$0x3FD9]  }
0x89: {  	s3 =	sld [smem:$0x3FFE];
	_ =	sdelay $0x1  }
0x8a: {  	s1 =	srdreg.scid  }
0x8b: {  	s0 =	sand.u32 $0x1, s1  }
0x8c: {  	s17 =	sshll.u32 s0, $0xA;
	s2 =	sadd.s32 s3, s2  }
0x8d: {  	s2 =	sadd.s32 s2, s17  }
0x8e: {  	[smem:$0x3FC1] =	sst s2  }
0x8f: {  	_ = 	snop  }
0x90: {  	s2 =	sld [smem:$0x3FC9]  }
0x91: {  	s18 =	sld [smem:$0x3FC7];
	(tm) =	ssettm $0x1  }
0x92: {  	s4 =	sld [smem:$0x3FFB];
	_ =	sdelay $0x3  }
0x93: {  	_ =	strace s4  }
0x94: {  	s4 =	sld [smem:$0x3FFC];
	_ =	sdelay $0x3  }
0x95: {  	_ =	strace s4  }
0x96: {  	s4 =	sld [smem:$0x3FFD];
	_ =	sdelay $0x3  }
0x97: {  	_ =	strace s4  }
0x98: {  	_ =	strace $0x8FFFFFFF  }
0x99: {  	s19 =	sld [smem:$0x3FDB];
	_ =	sdelay $0x1  }
0x9a: {  	s5 =	simm.s32 $_scs_section_size  }
0x9b: {  	s6 =	simm.s32 $_size__tile_overlayer_lowered;
	s7 =	simm.s32 $_tile_overlayer_lowered  }
0x9c: {  	s22 =	simm.s32 $0x1BFF;
	s21 =	sshll.u32 s7, $0x1;
	s4 =	sadd.s32 s5, s19  }
0x9d: {  	s8 =	simm.s32 $0x0;
	s20 =	sshll.u32 s6, $0x1;
	s6 =	sadd.s32 s21, s4  }
0x9e: {  	[timem:s8], [sflag:s22] =	dma.local [hbm:s6], s20  }
0x9f: {  	_ =	swait.ge [sflag:s22], s20  }
0xa0: {  	s5 =	ssub.s32 $0x0, s20;
	[sflag:s22] =	ssyncset.done $0x0  }
0xa1: {  	[sflag:s22] =	ssyncadd.s32 s5;
	_ =	sdelay $0x1  }
0xa2: {  	s23 =	simm.s32 $0x1B8B  }
0xa3: {  	_ =	swait.ge [sflag:s23], $0x1  }
0xa4: {  	[sflag:s23] =	ssyncset.done $0x0  }
0xa5: {  	s25 =	simm.s32 $0x1B8E;
	s24 =	sld [smem:$0x3FFE];
	[sflag:s23] =	ssyncadd.s32 $0xFFFFFFFF  }
0xa6: {  	s26 =	simm.s32 $execute0_lowered;
	[smem:$0x3FD2] =	sst s25  }
0xa7: {  	s6 =	sshll.u32 s26, $0x1;
	_ =	strace $0x80000046;
	[dreg:$0x1] =	wrdreg $0xFFFFFFFF  }
0xa8: {  	s28 =	simm.s32 $_size_execute0_lowered;
	s4 =	sadd.s32 s4, s6;
	[dreg:$0x0] =	wrdreg $0x0  }
0xa9: {  	s6 =	sshll.u32 s28, $0x1;
	[dreg:$0x2] =	wrdreg s4  }
0xaa: {  	[dreg:$0x3] =	wrdreg s6  }
0xab: {  	[dreg:$0x4] =	wrdreg $0xC0  }
0xac: {  	_ =	task [dreg:s8], $0x5FFFF  }
0xad: {  	[dreg:$0x1] =	wrdreg $0xFFFFFFFF  }
0xae: {  	[dreg:$0x0] =	wrdreg $0x60  }
0xaf: {  	[dreg:$0x2] =	wrdreg s2  }
0xb0: {  	[dreg:$0x3] =	wrdreg s18  }
0xb1: {  	[dreg:$0x4] =	wrdreg s24  }
0xb2: {  	[dreg:$0x5] =	wrdreg $0x9  }
0xb3: {  	_ =	task.clear_ibuf [dreg:s8], $0x6FFFF;
	_ =	strace $0x90000046  }
0xb4: {  	s29 =	simm.s32 $0x9;
	_ =	strace $0x80000048  }
0xb5: {  	_ =	swait.ge [sflag:s29], $0x1  }
0xb6: {  	[sflag:s29] =	ssyncadd.s32 $0xFFFFFFFF  }
0xb7: {  	_ =	strace $0x90000048  }
0xb8: {  	_ =	sfence  }
0xb9: {  	s30 =	sld [smem:$0x0];
	_ =	sdelay $0x2  }
0xba: {  	s31 =	sshll.u32 s1, $0xD;
	s1 =	sshrl.u32 s1, $0x2  }
0xbb: {  	s3 =	sand.u32 $0x4000, s31;
	s1 =	sadd.s32 s1, s30  }
0xbc: {  	s0 =	sor.u32 s3, s0;
	s1 =	sshll.u32 s1, $0x11  }
0xbd: {  	s0 =	sor.u32 s1, s0  }
0xbe: {  	s0 =	sadd.s32 $0x8F2B, s0  }
0xbf: {  	[sflag:s0] =	ssyncadd.remote.s32 $0x1  }
0xc0: {  	_ =	sfence.sel $0xFFFF  }
0xc1: {  	[dreg:$0x0] =	wrdreg $0xFFFFFFFF;
	(pc) =	sbr.abs _section_cstart, $3  }
0xc2: {  	[dreg:$0x1] =	wrdreg $0xFFFFFFFF  }
0xc3: {  	_ =	task.clear_ibuf [dreg:s8], $0x2FFFF;
	_ =	strace $0x9FFFFFFF  }
0xc4: {  	(tm) =	ssettm $0x7FFFFFFF  }
0xc5: {  	_ =	shalt  }
tec
execute0_lowered:
.L_overlay_start_1:
0x0: {  	(tag) =	ssettag $0x1  }
0x1: {  	s0 =	srdreg.scid  }
0x2: {  	s13 =	stileid.u32;
	s6 =	rddreg [dreg:$0x0]  }
0x3: {  	s14 =	rddreg [dreg:$0x2];
	s1 =	sand.u32 $0x1, s0;
	s3 =	sand.u32 $0x7, s13  }
0x4: {  	s2 =	sshll.u32 s1, $0x4;
	p1 =	sne.s32 s3, $0x0;
	s8 =	sshll.u32 s3, $0x7  }
0x5: {  	s3 =	simm.s32 $0x0;
	s5 =	sor.u32 s13, s2;
	s2 =	rddreg [dreg:$0x1]  }
0x6: {  	s19 =	simm.s32 $0x900;
	[smem:$0x7FF] =	sst s3  }
0x7: {  	s20 =	simm.s32 $0x1100;
	_ =	strace $0x80000047;
	[dreg:$0x7] =	wrdreg s19  }
0x8: {  	s21 =	simm.s32 $0x1900;
	[dreg:$0x8] =	wrdreg s20  }
0x9: {  	s22 =	simm.s32 $0x2100;
	[dreg:$0x9] =	wrdreg s21  }
0xa: {  	s23 =	simm.s32 $0x2900;
	[dreg:$0xa] =	wrdreg s22  }
0xb: {  	s24 =	simm.s32 $0x3100;
	[dreg:$0xb] =	wrdreg s23  }
0xc: {  	s25 =	simm.s32 $0x3900;
	[dreg:$0xc] =	wrdreg s24  }
0xd: {  	s26 =	simm.s32 $0x4100;
	[dreg:$0xd] =	wrdreg s25  }
0xe: {  	s0 =	simm.s32 $0x4900;
	[dreg:$0xe] =	wrdreg s26  }
0xf: {  	s4 =	simm.s32 $0x1;
	s9 =	simm.s32 $0x6900;
	[dreg:$0xf] =	wrdreg s0  }
0x10: {  	s10 =	simm.s32 $0x7100;
	s11 =	simm.s32 $0x7900;
	[dreg:$0x13] =	wrdreg s9  }
0x11: {  	s12 =	simm.s32 $0x8100;
	s28 =	simm.s32 $0x17100;
	[dreg:$0x14] =	wrdreg s10  }
0x12: {  	s29 =	simm.s32 $0x17900;
	s30 =	simm.s32 $0x2;
	[dreg:$0x15] =	wrdreg s11  }
0x13: {  	s31 =	simm.s32 $0x3;
	s13 =	simm.s32 $0x8900;
	[dreg:$0x16] =	wrdreg s12  }
0x14: {  	s16 =	sadd.s32 $0x1200, s14;
	s14 =	simm.s32 $0x9100;
	[dreg:$0x17] =	wrdreg s13  }
0x15: {  	s1 =	ssub.s32 $0x2, s1;
	[dreg:$0x18] =	wrdreg s14;
	s19 =	simm.s32 $0xB100  }
0x16: {  	p0 =	seq.s32 s5, $0x0;
	s20 =	simm.s32 $0xB900;
	[dreg:$0x1c] =	wrdreg s19  }
0x17: {  	s7 =	sshrl.u32 s5, $0x3;
	s21 =	simm.s32 $0x80;
	[dreg:$0x1d] =	wrdreg s20  }
0x18: {  	s15 =	smul.u32 $0x18000, s5;
	s22 =	simm.s32 $0xC900;
	[dreg:$0x1e] =	wrdreg s21  }
0x19: {  	s5 =	smul.u32 $0x3000, s5;
	s9 =	simm.s32 $0xD100;
	[dreg:$0x1f] =	wrdreg s22  }
0x1a: {  	s23 =	simm.s32 $0xD900;
	s24 =	simm.s32 $0xE100;
	[smem:$0x7F9] =	sst s9  }
0x1b: {  	s10 =	simm.s32 $0x100;
	s25 =	simm.s32 $0xE900;
	[smem:$0x7FA] =	sst s23  }
0x1c: {  	s11 =	simm.s32 $0xC100;
	s26 =	simm.s32 $0xF100;
	[smem:$0x7FB] =	sst s24  }
0x1d: {  	s14 =	simm.s32 $0x10900;
	p0 =	por !p1, !p0;
	[smem:$0x7FC] =	sst s25  }
0x1e: {  	s9 =	simm.s32 $0x5;
	[smem:$0x7FD] =	sst s26;
	s19 =	simm.s32 $0x13100  }
0x1f: {  	s20 =	simm.s32 $0x13900;
	s21 =	simm.s32 $0x14100;
	p0 =	por !p0, !p0  }
0x20: {  	s22 =	simm.s32 $0x14900;
	s5 =	sadd.s32 s16, s5;
	s4 =	simm.s32 @!p0 $0x0  }
0x21: {  	[dreg:$0x5] =	wrdreg s5;
	s4 =	ssub.s32 s7, s4;
	s7 =	simm.s32 $0x5900  }
0x22: {  	s23 =	simm.s32 $0x15100;
	s4 =	sshll.u32 s4, $0xB;
	[dreg:$0x11] =	wrdreg s7  }
0x23: {  	s4 =	sor.u32 s8, s4;
	s8 =	sshrl.u32 s15, $0x3;
	s15 =	simm.s32 $0x9900  }
0x24: {  	s24 =	simm.s32 $0x15900;
	s4 =	sshrl.u32 s4, $0x3;
	[dreg:$0x19] =	wrdreg s15  }
0x25: {  	s4 =	sadd.s32 s6, s4;
	s6 =	sadd.s32 s16, s8;
	s8 =	simm.s32 $0x6100  }
0x26: {  	s25 =	simm.s32 $0x16100;
	s16 =	simm.s32 $0xA100;
	[dreg:$0x12] =	wrdreg s8  }
0x27: {  	s26 =	simm.s32 $0x16900;
	s17 =	sadd.s32 $0x8, s4;
	[dreg:$0x1a] =	wrdreg s16  }
0x28: {  	s5 =	simm.s32 $0x1;
	s18 =	sadd.s32 $0x1800, s6;
	[dreg:$0x4] =	wrdreg s17  }
0x29: {  	s7 =	sadd.s32 $0x200, s2;
	s6 =	simm.s32 $0x5100;
	[dreg:$0x6] =	wrdreg s18  }
0x2a: {  	s15 =	simm.s32 $0x11100;
	s16 =	simm.s32 $0x11900;
	[dreg:$0x10] =	wrdreg s6  }
0x2b: {  	v2 =	vlaneseq.u32;
	s17 =	simm.s32 $0xA900;
	s18 =	sshrl.u32 s1, $0x1;
	s6 =	sadd.s32 $0x100, s2  }
0x2c: {  	vm0 =	vmmov $0xffff;
	v1 =	vshrl.u32 v2, $0x3;
	[dreg:$0x1b] =	wrdreg s17;
	s1 =	ssub.s32 s1, s18;
	s17 =	simm.s32 $0x12100  }
0x2d: {  	v0 =	vand.u32 $0x7, v2;
	v2 =	vor.u32 $0x8, v2;
	v1 =	vmul.u32 $0x8, v1;
	s18 =	simm.s32 $0x12900;
	s8 =	smax.u32 s1, $0x1;
	s1 =	simm.s32 $0x4  }
.LBB2_1:
0x2e: {  	[tilespmem:s3], [sflag:$0x5] =	stream.linear.gather [hbm4b:s4+s3], $0x40, $0x38;
	[tilespmem:$0x18100] =	vst v63  }
0x2f: {  	_ =	swait.ge [sflag:s9], $0x40  }
0x30: {  	[sflag:s9] =	ssyncset.done $0x0  }
0x31: {  	[sflag:s9] =	ssyncadd.s32 $0xFFFFFFC0  }
0x32: {  	v3 =	vld [tilespmem:$0x0];
	_ =	sdelay $0x4  }
0x33: {  	v4 =	vshrl.u32 v3, $0x3  }
0x34: {  	v4 =	vmul.u32 $0x30, v4  }
0x35: {  	v3 =	vand.u32 $0x7, v3  }
0x36: {  	v3 =	vor.u32 v3, v4  }
0x37: {  	v4 =	vperm.xlane v3, v0;
	_ =	sdelay $0x1  }
0x38: {  	v4 =	vadd.s32 v1, v4;
	_ =	sdelay $0x3  }
0x39: {  	v3 =	vperm.xlane v3, v2  }
0x3a: {  	[tilespmem:s10], [sflag:$0x1] =	stream.indirect_vreg.gather [hbm4b:s2+s3], $0x80, v4, vm0, $0xb8;
	[tilespmem:$0x18100] =	vst v63  }
0x3b: {  	s0 =	rddreg [dreg:$0x7];
	v3 =	vadd.s32 v1, v3  }
0x3c: {  	[tilespmem:s0], [sflag:$0x1] =	stream.indirect_vreg.gather [hbm4b:s6+s3], $0x80, v4, vm0, $0xb8;
	[tilespmem:$0x18100] =	vst v63  }
0x3d: {  	s12 =	rddreg [dreg:$0x8]  }
0x3e: {  	[tilespmem:s12], [sflag:$0x1] =	stream.indirect_vreg.gather [hbm4b:s7+s3], $0x80, v4, vm0, $0xb8;
	[tilespmem:$0x18100] =	vst v63  }
0x3f: {  	s13 =	rddreg [dreg:$0x9]  }
0x40: {  	[tilespmem:s13], [sflag:$0x1] =	stream.indirect_vreg.gather [hbm4b:s2+s3], $0x80, v3, vm0, $0xb8;
	[tilespmem:$0x18100] =	vst v63  }
0x41: {  	s12 =	rddreg [dreg:$0xa]  }
0x42: {  	[tilespmem:s12], [sflag:$0x1] =	stream.indirect_vreg.gather [hbm4b:s6+s3], $0x80, v3, vm0, $0xb8;
	[tilespmem:$0x18100] =	vst v63  }
0x43: {  	s13 =	rddreg [dreg:$0xb]  }
0x44: {  	[tilespmem:s13], [sflag:$0x1] =	stream.indirect_vreg.gather [hbm4b:s7+s3], $0x80, v3, vm0, $0xb8;
	[tilespmem:$0x18100] =	vst v63  }
0x45: {  	v3 =	vld [tilespmem:$0x10];
	_ =	sdelay $0x4  }
0x46: {  	v57 =	vshrl.u32 v3, $0x3  }
0x47: {  	v4 =	vmul.u32 $0x30, v57  }
0x48: {  	v3 =	vand.u32 $0x7, v3  }
0x49: {  	v3 =	vor.u32 v3, v4  }
0x4a: {  	v4 =	vperm.xlane v3, v0;
	_ =	sdelay $0x1  }
0x4b: {  	v4 =	vadd.s32 v1, v4;
	_ =	sdelay $0x3  }
0x4c: {  	s12 =	rddreg [dreg:$0xc];
	v3 =	vperm.xlane v3, v2  }
0x4d: {  	[tilespmem:s12], [sflag:$0x1] =	stream.indirect_vreg.gather [hbm4b:s2+s3], $0x80, v4, vm0, $0xb8;
	[tilespmem:$0x18100] =	vst v63  }
0x4e: {  	s13 =	rddreg [dreg:$0xd];
	v3 =	vadd.s32 v1, v3  }
0x4f: {  	[tilespmem:s13], [sflag:$0x1] =	stream.indirect_vreg.gather [hbm4b:s6+s3], $0x80, v4, vm0, $0xb8;
	[tilespmem:$0x18100] =	vst v63  }
0x50: {  	s0 =	rddreg [dreg:$0xe]  }
0x51: {  	[tilespmem:s0], [sflag:$0x1] =	stream.indirect_vreg.gather [hbm4b:s7+s3], $0x80, v4, vm0, $0xb8;
	[tilespmem:$0x18100] =	vst v63  }
0x52: {  	s13 =	rddreg [dreg:$0xf]  }
0x53: {  	[tilespmem:s13], [sflag:$0x1] =	stream.indirect_vreg.gather [hbm4b:s2+s3], $0x80, v3, vm0, $0xb8;
	[tilespmem:$0x18100] =	vst v63  }
0x54: {  	s0 =	rddreg [dreg:$0x10]  }
0x55: {  	[tilespmem:s0], [sflag:$0x1] =	stream.indirect_vreg.gather [hbm4b:s6+s3], $0x80, v3, vm0, $0xb8;
	[tilespmem:$0x18100] =	vst v63  }
0x56: {  	s13 =	rddreg [dreg:$0x11]  }
0x57: {  	[tilespmem:s13], [sflag:$0x1] =	stream.indirect_vreg.gather [hbm4b:s7+s3], $0x80, v3, vm0, $0xb8;
	[tilespmem:$0x18100] =	vst v63  }
0x58: {  	v3 =	vld [tilespmem:$0x20];
	_ =	sdelay $0x4  }
0x59: {  	v58 =	vshrl.u32 v3, $0x3  }
0x5a: {  	v4 =	vmul.u32 $0x30, v58  }
0x5b: {  	v3 =	vand.u32 $0x7, v3  }
0x5c: {  	v3 =	vor.u32 v3, v4  }
0x5d: {  	v4 =	vperm.xlane v3, v0;
	_ =	sdelay $0x1  }
0x5e: {  	v4 =	vadd.s32 v1, v4;
	_ =	sdelay $0x3  }
0x5f: {  	s12 =	rddreg [dreg:$0x12];
	v3 =	vperm.xlane v3, v2  }
0x60: {  	[tilespmem:s12], [sflag:$0x1] =	stream.indirect_vreg.gather [hbm4b:s2+s3], $0x80, v4, vm0, $0xb8;
	[tilespmem:$0x18100] =	vst v63  }
0x61: {  	s13 =	rddreg [dreg:$0x13];
	v3 =	vadd.s32 v1, v3  }
0x62: {  	[tilespmem:s13], [sflag:$0x1] =	stream.indirect_vreg.gather [hbm4b:s6+s3], $0x80, v4, vm0, $0xb8;
	[tilespmem:$0x18100] =	vst v63  }
0x63: {  	s0 =	rddreg [dreg:$0x14]  }
0x64: {  	[tilespmem:s0], [sflag:$0x1] =	stream.indirect_vreg.gather [hbm4b:s7+s3], $0x80, v4, vm0, $0xb8;
	[tilespmem:$0x18100] =	vst v63  }
0x65: {  	s13 =	rddreg [dreg:$0x15]  }
0x66: {  	[tilespmem:s13], [sflag:$0x1] =	stream.indirect_vreg.gather [hbm4b:s2+s3], $0x80, v3, vm0, $0xb8;
	[tilespmem:$0x18100] =	vst v63  }
0x67: {  	s0 =	rddreg [dreg:$0x16]  }
0x68: {  	[tilespmem:s0], [sflag:$0x1] =	stream.indirect_vreg.gather [hbm4b:s6+s3], $0x80, v3, vm0, $0xb8;
	[tilespmem:$0x18100] =	vst v63  }
0x69: {  	s13 =	rddreg [dreg:$0x17]  }
0x6a: {  	[tilespmem:s13], [sflag:$0x1] =	stream.indirect_vreg.gather [hbm4b:s7+s3], $0x80, v3, vm0, $0xb8;
	[tilespmem:$0x18100] =	vst v63  }
0x6b: {  	v3 =	vld [tilespmem:$0x30];
	_ =	sdelay $0x4  }
0x6c: {  	v59 =	vshrl.u32 v3, $0x3  }
0x6d: {  	v4 =	vmul.u32 $0x30, v59  }
0x6e: {  	v3 =	vand.u32 $0x7, v3  }
0x6f: {  	v3 =	vor.u32 v3, v4  }
0x70: {  	v4 =	vperm.xlane v3, v0;
	_ =	sdelay $0x1  }
0x71: {  	v4 =	vadd.s32 v1, v4;
	_ =	sdelay $0x2  }
0x72: {  	s12 =	rddreg [dreg:$0x19]  }
0x73: {  	s13 =	rddreg [dreg:$0x18];
	v3 =	vperm.xlane v3, v2  }
0x74: {  	[tilespmem:s13], [sflag:$0x1] =	stream.indirect_vreg.gather [hbm4b:s2+s3], $0x80, v4, vm0, $0xb8;
	[tilespmem:$0x18100] =	vst v63  }
0x75: {  	s0 =	rddreg [dreg:$0x1d];
	v3 =	vadd.s32 v1, v3  }
0x76: {  	[tilespmem:s12], [sflag:$0x1] =	stream.indirect_vreg.gather [hbm4b:s6+s3], $0x80, v4, vm0, $0xb8;
	[tilespmem:$0x18100] =	vst v63  }
0x77: {  	s13 =	rddreg [dreg:$0x1a]  }
0x78: {  	[tilespmem:s13], [sflag:$0x1] =	stream.indirect_vreg.gather [hbm4b:s7+s3], $0x80, v4, vm0, $0xb8;
	[tilespmem:$0x18100] =	vst v63  }
0x79: {  	s12 =	rddreg [dreg:$0x1b]  }
0x7a: {  	[tilespmem:s12], [sflag:$0x1] =	stream.indirect_vreg.gather [hbm4b:s2+s3], $0x80, v3, vm0, $0xb8;
	[tilespmem:$0x18100] =	vst v63  }
0x7b: {  	s13 =	rddreg [dreg:$0x1c]  }
0x7c: {  	[tilespmem:s13], [sflag:$0x1] =	stream.indirect_vreg.gather [hbm4b:s6+s3], $0x80, v3, vm0, $0xb8;
	[tilespmem:$0x18100] =	vst v63  }
0x7d: {  	s12 =	rddreg [dreg:$0x4]  }
0x7e: {  	[tilespmem:s0], [sflag:$0x1] =	stream.indirect_vreg.gather [hbm4b:s7+s3], $0x80, v3, vm0, $0xb8;
	[tilespmem:$0x18100] =	vst v63  }
0x7f: {  	s13 =	rddreg [dreg:$0x1e]  }
0x80: {  	[tilespmem:s13], [sflag:$0x5] =	stream.linear.gather [hbm4b:s12+s3], $0x40, $0x38;
	[tilespmem:$0x18100] =	vst v63  }
0x81: {  	_ =	swait.ge [sflag:s9], $0x40  }
0x82: {  	[sflag:s9] =	ssyncset.done $0x0  }
0x83: {  	[sflag:s9] =	ssyncadd.s32 $0xFFFFFFC0  }
0x84: {  	v3 =	vld [tilespmem:$0x80];
	_ =	sdelay $0x4  }
0x85: {  	v60 =	vshrl.u32 v3, $0x3  }
0x86: {  	v4 =	vmul.u32 $0x30, v60  }
0x87: {  	v3 =	vand.u32 $0x7, v3  }
0x88: {  	v3 =	vor.u32 v3, v4  }
0x89: {  	v4 =	vperm.xlane v3, v0;
	_ =	sdelay $0x1  }
0x8a: {  	v4 =	vadd.s32 v1, v4;
	_ =	sdelay $0x3  }
0x8b: {  	s13 =	rddreg [dreg:$0x1f];
	v3 =	vperm.xlane v3, v2  }
0x8c: {  	[tilespmem:s11], [sflag:$0x2] =	stream.indirect_vreg.gather [hbm4b:s2+s3], $0x80, v4, vm0, $0xb8;
	[tilespmem:$0x18100] =	vst v63  }
0x8d: {  	s12 =	sld [smem:$0x7F9];
	v3 =	vadd.s32 v1, v3  }
0x8e: {  	[tilespmem:s13], [sflag:$0x2] =	stream.indirect_vreg.gather [hbm4b:s6+s3], $0x80, v4, vm0, $0xb8;
	[tilespmem:$0x18100] =	vst v63  }
0x8f: {  	s13 =	sld [smem:$0x7FA]  }
0x90: {  	[tilespmem:s12], [sflag:$0x2] =	stream.indirect_vreg.gather [hbm4b:s7+s3], $0x80, v4, vm0, $0xb8;
	[tilespmem:$0x18100] =	vst v63  }
0x91: {  	s12 =	sld [smem:$0x7FB]  }
0x92: {  	[tilespmem:s13], [sflag:$0x2] =	stream.indirect_vreg.gather [hbm4b:s2+s3], $0x80, v3, vm0, $0xb8;
	[tilespmem:$0x18100] =	vst v63  }
0x93: {  	s13 =	sld [smem:$0x7FC]  }
0x94: {  	[tilespmem:s12], [sflag:$0x2] =	stream.indirect_vreg.gather [hbm4b:s6+s3], $0x80, v3, vm0, $0xb8;
	[tilespmem:$0x18100] =	vst v63  }
0x95: {  	_ = 	snop  }
0x96: {  	[tilespmem:s13], [sflag:$0x2] =	stream.indirect_vreg.gather [hbm4b:s7+s3], $0x80, v3, vm0, $0xb8;
	[tilespmem:$0x18100] =	vst v63  }
0x97: {  	v3 =	vld [tilespmem:$0x90];
	_ =	sdelay $0x4  }
0x98: {  	v61 =	vshrl.u32 v3, $0x3  }
0x99: {  	v4 =	vmul.u32 $0x30, v61  }
0x9a: {  	v3 =	vand.u32 $0x7, v3  }
0x9b: {  	v3 =	vor.u32 v3, v4  }
0x9c: {  	v4 =	vperm.xlane v3, v0;
	_ =	sdelay $0x1  }
0x9d: {  	v4 =	vadd.s32 v1, v4;
	_ =	sdelay $0x1  }
0x9e: {  	s13 =	sld [smem:$0x7FD];
	_ =	sdelay $0x1  }
0x9f: {  	v3 =	vperm.xlane v3, v2  }
0xa0: {  	[tilespmem:s13], [sflag:$0x2] =	stream.indirect_vreg.gather [hbm4b:s2+s3], $0x80, v4, vm0, $0xb8;
	[tilespmem:$0x18100] =	vst v63  }
0xa1: {  	s12 =	simm.s32 $0xF900;
	v3 =	vadd.s32 v1, v3  }
0xa2: {  	[tilespmem:s12], [sflag:$0x2] =	stream.indirect_vreg.gather [hbm4b:s6+s3], $0x80, v4, vm0, $0xb8;
	[tilespmem:$0x18100] =	vst v63  }
0xa3: {  	s13 =	simm.s32 $0x10100  }
0xa4: {  	[tilespmem:s13], [sflag:$0x2] =	stream.indirect_vreg.gather [hbm4b:s7+s3], $0x80, v4, vm0, $0xb8;
	[tilespmem:$0x18100] =	vst v63  }
0xa5: {  	_ = 	snop  }
0xa6: {  	[tilespmem:s14], [sflag:$0x2] =	stream.indirect_vreg.gather [hbm4b:s2+s3], $0x80, v3, vm0, $0xb8;
	[tilespmem:$0x18100] =	vst v63  }
0xa7: {  	_ = 	snop  }
0xa8: {  	[tilespmem:s15], [sflag:$0x2] =	stream.indirect_vreg.gather [hbm4b:s6+s3], $0x80, v3, vm0, $0xb8;
	[tilespmem:$0x18100] =	vst v63  }
0xa9: {  	_ = 	snop  }
0xaa: {  	[tilespmem:s16], [sflag:$0x2] =	stream.indirect_vreg.gather [hbm4b:s7+s3], $0x80, v3, vm0, $0xb8;
	[tilespmem:$0x18100] =	vst v63  }
0xab: {  	v3 =	vld [tilespmem:$0xA0];
	_ =	sdelay $0x4  }
0xac: {  	v62 =	vshrl.u32 v3, $0x3  }
0xad: {  	v4 =	vmul.u32 $0x30, v62  }
0xae: {  	v3 =	vand.u32 $0x7, v3  }
0xaf: {  	v3 =	vor.u32 v3, v4  }
0xb0: {  	v4 =	vperm.xlane v3, v0;
	_ =	sdelay $0x1  }
0xb1: {  	v4 =	vadd.s32 v1, v4;
	_ =	sdelay $0x3  }
0xb2: {  	v3 =	vperm.xlane v3, v2  }
0xb3: {  	[tilespmem:s17], [sflag:$0x2] =	stream.indirect_vreg.gather [hbm4b:s2+s3], $0x80, v4, vm0, $0xb8;
	[tilespmem:$0x18100] =	vst v63  }
0xb4: {  	v3 =	vadd.s32 v1, v3  }
0xb5: {  	[tilespmem:s18], [sflag:$0x2] =	stream.indirect_vreg.gather [hbm4b:s6+s3], $0x80, v4, vm0, $0xb8;
	[tilespmem:$0x18100] =	vst v63  }
0xb6: {  	_ = 	snop  }
0xb7: {  	[tilespmem:s19], [sflag:$0x2] =	stream.indirect_vreg.gather [hbm4b:s7+s3], $0x80, v4, vm0, $0xb8;
	[tilespmem:$0x18100] =	vst v63  }
0xb8: {  	_ = 	snop  }
0xb9: {  	[tilespmem:s20], [sflag:$0x2] =	stream.indirect_vreg.gather [hbm4b:s2+s3], $0x80, v3, vm0, $0xb8;
	[tilespmem:$0x18100] =	vst v63  }
0xba: {  	_ = 	snop  }
0xbb: {  	[tilespmem:s21], [sflag:$0x2] =	stream.indirect_vreg.gather [hbm4b:s6+s3], $0x80, v3, vm0, $0xb8;
	[tilespmem:$0x18100] =	vst v63  }
0xbc: {  	_ = 	snop  }
0xbd: {  	[tilespmem:s22], [sflag:$0x2] =	stream.indirect_vreg.gather [hbm4b:s7+s3], $0x80, v3, vm0, $0xb8;
	[tilespmem:$0x18100] =	vst v63  }
0xbe: {  	v3 =	vld [tilespmem:$0xB0];
	_ =	sdelay $0x4  }
0xbf: {  	v63 =	vshrl.u32 v3, $0x3  }
0xc0: {  	v4 =	vmul.u32 $0x30, v63  }
0xc1: {  	v3 =	vand.u32 $0x7, v3  }
0xc2: {  	v3 =	vor.u32 v3, v4  }
0xc3: {  	v4 =	vperm.xlane v3, v0;
	_ =	sdelay $0x1  }
0xc4: {  	v4 =	vadd.s32 v1, v4;
	_ =	sdelay $0x3  }
0xc5: {  	v3 =	vperm.xlane v3, v2  }
0xc6: {  	[tilespmem:s23], [sflag:$0x2] =	stream.indirect_vreg.gather [hbm4b:s2+s3], $0x80, v4, vm0, $0xb8;
	[tilespmem:$0x18100] =	vst v63  }
0xc7: {  	v3 =	vadd.s32 v1, v3  }
0xc8: {  	[tilespmem:s24], [sflag:$0x2] =	stream.indirect_vreg.gather [hbm4b:s6+s3], $0x80, v4, vm0, $0xb8;
	[tilespmem:$0x18100] =	vst v63  }
0xc9: {  	_ = 	snop  }
0xca: {  	[tilespmem:s25], [sflag:$0x2] =	stream.indirect_vreg.gather [hbm4b:s7+s3], $0x80, v4, vm0, $0xb8;
	[tilespmem:$0x18100] =	vst v63  }
0xcb: {  	_ = 	snop  }
0xcc: {  	[tilespmem:s26], [sflag:$0x2] =	stream.indirect_vreg.gather [hbm4b:s2+s3], $0x80, v3, vm0, $0xb8;
	[tilespmem:$0x18100] =	vst v63  }
0xcd: {  	_ = 	snop  }
0xce: {  	[tilespmem:s28], [sflag:$0x2] =	stream.indirect_vreg.gather [hbm4b:s6+s3], $0x80, v3, vm0, $0xb8;
	[tilespmem:$0x18100] =	vst v63  }
0xcf: {  	_ = 	snop  }
0xd0: {  	[tilespmem:s29], [sflag:$0x2] =	stream.indirect_vreg.gather [hbm4b:s7+s3], $0x80, v3, vm0, $0xb8;
	[tilespmem:$0x18100] =	vst v63  }
0xd1: {  	_ =	swait.ge [sflag:s5], $0xC000  }
0xd2: {  	[sflag:s5] =	ssyncset.done $0x0  }
0xd3: {  	s12 =	rddreg [dreg:$0x5];
	[sflag:s5] =	ssyncadd.s32 $0xFFFF4000  }
0xd4: {  	[hbm4b:s12+s3] =	stream.linear.scatter [tilespmem:s10], [sflag:$0x3], $0xC000, $0x38;
	[tilespmem:$0x18100] =	vst v63  }
0xd5: {  	_ =	swait.ge [sflag:s30], $0xC000  }
0xd6: {  	[sflag:s30] =	ssyncset.done $0x0  }
0xd7: {  	s13 =	rddreg [dreg:$0x6];
	[sflag:s30] =	ssyncadd.s32 $0xFFFF4000  }
0xd8: {  	[hbm4b:s13+s3] =	stream.linear.scatter [tilespmem:s11], [sflag:$0x4], $0xC000, $0x38;
	[tilespmem:$0x18100] =	vst v63  }
0xd9: {  	p0 =	sne.s32 s8, $0x1;
	_ =	swait.ge [sflag:s31], $0xC000  }
.Ltmp0:
0xda: {  	[sflag:s31] =	ssyncset.done $0x0;
	(pc) =	sbr.rel @p0 .LBB2_1-.Ltmp0, $4  }
0xdb: {  	[sflag:s31] =	ssyncadd.s32 $0xFFFF4000  }
0xdc: {  	_ =	swait.ge [sflag:s1], $0xC000  }
0xdd: {  	[sflag:s1] =	ssyncset.done $0x0  }
0xde: {  	s8 =	sadd.s32 $0xFFFFFFFF, s8;
	[sflag:s1] =	ssyncadd.s32 $0xFFFF4000  }
0xdf: {  	_ =	sfence.sel $0x180000  }
0xe0: {  	[bflag:$0x0] =	sbarrier.arrive $0xFFFF  }
0xe1: {  	_ =	strace $0x90000047  }
0xe2: {  	s0 =	stileid.u32;
	[bflag:$0x2] =	sbarrier.arrive $0xFFFF  }
0xe3: {  	p0 =	sne.s32 s0, $0x0;
	s0 =	rddreg [dreg:$0x3]  }
0xe4: {  	s0 =	sadd.s32 @!p0 $0x100000, s0  }
0xe5: {  	[sflag:s0] =	ssyncadd.tile.s32 @!p0 $0x1;
	_ =	shalt  }
.Lfunc_end2:
_tile_overlayer_lowered:
.L_overlay_start_2:
0xe6: {  	(tag) =	ssettag $0x2  }
0xe7: {  	s0 =	rddreg [dreg:$0x0];
	s2 =	stileid.u32  }
0xe8: {  	s1 =	rddreg [dreg:$0x1];
	p0 =	sne.s32 s2, $0x0  }
0xe9: {  	s3 =	rddreg [dreg:$0x2];
	[bflag:$0x3] =	sbarrier.arrive $0xFFFF;
	s2 =	simm.s32 @!p0 $0x1C05  }
0xea: {  	[timem:s3], [sflag:s2] =	dma.local @!p0 [hbm:s0], s1  }
0xeb: {  	s0 =	simm.s32 @!p0 $0x5  }
0xec: {  	_ =	swait.ge @!p0 [sflag:s0], s1  }
0xed: {  	s1 =	ssub.s32 @!p0 $0x0, s1;
	[sflag:s0] =	ssyncset.done @!p0 $0x0  }
0xee: {  	[sflag:s0] =	ssyncadd.s32 @!p0 s1  }
0xef: {  	[bflag:$0x3] =	sbarrier.arrive $0xFFFF  }
0xf0: {  	_ =	shalt  }

// kernel: _run.9.cloned.1.call-start
scs
__scs_entry_jumppad:
0x0: {  	(pc) =	sbr.rel $0x88, $3  }
0x1: {  	(tag) =	ssettag $0x0;
	lr =	simm.s32 $0x1  }
0x2: {  	[smem:$0x3F9A] =	sst lr;
	_ =	strace $0xD0000000  }
0x3: {  	_ = 	snop  }
0x4: {  	_ = 	snop  }
0x5: {  	_ = 	snop  }
0x6: {  	_ = 	snop  }
0x7: {  	_ = 	snop  }
__scs_overlays_trampoline_lowered:
0x8: {  	[smem:$0x3FA9] =	sst s0  }
0x9: {  	[smem:$0x3FAA] =	sst s1  }
0xa: {  	[smem:$0x3FAB] =	sst s2  }
0xb: {  	[smem:$0x3FAC] =	sst s3  }
0xc: {  	[smem:$0x3FAD] =	sst s4  }
0xd: {  	[smem:$0x3FAE] =	sst s5  }
0xe: {  	[smem:$0x3FAF] =	sst s6  }
0xf: {  	[smem:$0x3FB0] =	sst s7  }
0x10: {  	[smem:$0x3FB1] =	sst s8  }
0x11: {  	[smem:$0x3FB2] =	sst s9;
	s0 =	simm.s32 @!p0 $0x0  }
0x12: {  	s1 =	sld [smem:$0x3F98];
	s0 =	simm.s32 @p0 $0x1  }
0x13: {  	[smem:$0x3FB3] =	sst s0;
	s0 =	simm.s32 @!p1 $0x0  }
0x14: {  	s2 =	sld [smem:$0x3F97];
	s0 =	simm.s32 @p1 $0x1  }
0x15: {  	[smem:$0x3FB4] =	sst s0;
	s0 =	simm.s32 @!p2 $0x0  }
0x16: {  	s3 =	sld [smem:$0x3FDB];
	s0 =	simm.s32 @p2 $0x1  }
0x17: {  	s4 =	simm.s32 $0x1BF5;
	[smem:$0x3FB6] =	sst s0  }
0x18: {  	s0 =	sld [smem:$0x3F99];
	_ =	swait.ge [sflag:s4], $0x0  }
0x19: {  	s7 =	sld [smem:$0x3F9A]  }
0x1a: {  	s8 =	sadd.s32 $0xFFFFE003, lr  }
0x1b: {  	s9 =	sadd.s32 $0xFFFFFEF7, lr;
	s5 =	simm.s32 $0xFFFFFFFF;
	p2 =	slt.u32 s8, $0xFFFFF086  }
0x1c: {  	p1 =	slt.u32 s9, $0xF7A;
	s5 =	simm.s32 @!p2 $0x0  }
0x1d: {  	s5 =	simm.s32 @p1 $0x1;
	p0 =	seq.s32 s7, s2  }
0x1e: {  	s7 =	smul.u32 @!p0 $0xF7A, s2;
	p2 =	seq.s32 @!p0 s5, $0x0  }
0x1f: {  	s9 =	smul.u32 $0xF7A, s1;
	s8 =	simm.s32 @!p0 $0x1BF5;
	p2 =	por !p2, p0  }
0x20: {  	[sflag:s8] =	ssyncset.s32 @!p0 $0xFFFFF086;
	s6 =	sadd.s32 @!p0 s3, s7;
	s7 =	simm.s32 @!p0 $0x108  }
0x21: {  	s3 =	sadd.s32 s3, s9;
	s6 =	sadd.s32 @!p0 $0x88, s6;
	s7 =	simm.s32 @p2 $0x1082  }
0x22: {  	[simem:s7], [sflag:s8] =	dma.local @!p0 [hbm:s6], $0xF7A  }
0x23: {  	s9 =	sor.u32 $0xD0000000, s2;
	s6 =	simm.s32 $0x108;
	_ =	swait.ge @!p0 [sflag:s8], $0x0  }
0x24: {  	s3 =	sadd.s32 $0x88, s3;
	s6 =	simm.s32 @!p1 $0x1082;
	[sflag:s4] =	ssyncset.s32 $0xFFFFF086  }
0x25: {  	[simem:s6], [sflag:s4] =	dma.local [hbm:s3], $0xF7A  }
0x26: {  	[smem:$0x3F9A] =	sst s1;
	(tag) =	ssettag s2;
	_ =	strace s9  }
0x27: {  	s1 =	sld [smem:$0x3FAA]  }
0x28: {  	s2 =	sld [smem:$0x3FAB]  }
0x29: {  	s4 =	sld [smem:$0x3FAD]  }
0x2a: {  	p0 =	seq.s32 s5, $0x0;
	s5 =	sld [smem:$0x3FAE]  }
0x2b: {  	s6 =	sld [smem:$0x3FAF]  }
0x2c: {  	s7 =	sld [smem:$0x3FB0]  }
0x2d: {  	s3 =	simm.s32 $0x108;
	s8 =	sld [smem:$0x3FB1]  }
0x2e: {  	s3 =	simm.s32 @!p0 $0x1082;
	s9 =	sld [smem:$0x3FB2]  }
0x2f: {  	lr =	sadd.s32 s0, s3;
	s0 =	sld [smem:$0x3FA9]  }
0x30: {  	s3 =	sld [smem:$0x3FAC]  }
0x31: {  	[smem:$0x3FB5] =	sst s10  }
0x32: {  	s10 =	sld [smem:$0x3FB3];
	_ =	sdelay $0x3  }
0x33: {  	p0 =	seq.s32 s10, $0x1;
	s10 =	sld [smem:$0x3FB5];
	_ =	sdelay $0x3  }
0x34: {  	[smem:$0x3FB5] =	sst s10  }
0x35: {  	s10 =	sld [smem:$0x3FB4];
	_ =	sdelay $0x3  }
0x36: {  	p1 =	seq.s32 s10, $0x1;
	s10 =	sld [smem:$0x3FB5];
	_ =	sdelay $0x3  }
0x37: {  	[smem:$0x3FB5] =	sst s10  }
0x38: {  	s10 =	sld [smem:$0x3FB6]  }
0x39: {  	_ = 	snop;
	(pc) =	sbr.ind lr, $3  }
0x3a: {  	_ = 	snop  }
0x3b: {  	_ = 	snop  }
0x3c: {  	p2 =	seq.s32 s10, $0x1;
	s10 =	sld [smem:$0x3FB5]  }
0x3d: {  	_ =	shalt  }
0x3e: {  	_ =	shalt  }
0x3f: {  	_ =	shalt  }
0x40: {  	_ =	shalt  }
0x41: {  	_ =	shalt  }
0x42: {  	_ =	shalt  }
0x43: {  	_ =	shalt  }
0x44: {  	_ =	shalt  }
0x45: {  	_ =	shalt  }
0x46: {  	_ =	shalt  }
0x47: {  	_ =	shalt  }
0x48: {  	_ =	shalt  }
0x49: {  	_ =	shalt  }
0x4a: {  	_ =	shalt  }
0x4b: {  	_ =	shalt  }
0x4c: {  	_ =	shalt  }
0x4d: {  	_ =	shalt  }
0x4e: {  	_ =	shalt  }
0x4f: {  	_ =	shalt  }
0x50: {  	_ =	shalt  }
0x51: {  	_ =	shalt  }
0x52: {  	_ =	shalt  }
0x53: {  	_ =	shalt  }
0x54: {  	_ =	shalt  }
0x55: {  	_ =	shalt  }
0x56: {  	_ =	shalt  }
0x57: {  	_ =	shalt  }
0x58: {  	_ =	shalt  }
0x59: {  	_ =	shalt  }
0x5a: {  	_ =	shalt  }
0x5b: {  	_ =	shalt  }
0x5c: {  	_ =	shalt  }
0x5d: {  	_ =	shalt  }
0x5e: {  	_ =	shalt  }
0x5f: {  	_ =	shalt  }
0x60: {  	_ =	shalt  }
0x61: {  	_ =	shalt  }
0x62: {  	_ =	shalt  }
0x63: {  	_ =	shalt  }
0x64: {  	_ =	shalt  }
0x65: {  	_ =	shalt  }
0x66: {  	_ =	shalt  }
0x67: {  	_ =	shalt  }
0x68: {  	_ =	shalt  }
0x69: {  	_ =	shalt  }
0x6a: {  	_ =	shalt  }
0x6b: {  	_ =	shalt  }
0x6c: {  	_ =	shalt  }
0x6d: {  	_ =	shalt  }
0x6e: {  	_ =	shalt  }
0x6f: {  	_ =	shalt  }
0x70: {  	_ =	shalt  }
0x71: {  	_ =	shalt  }
0x72: {  	_ =	shalt  }
0x73: {  	_ =	shalt  }
0x74: {  	_ =	shalt  }
0x75: {  	_ =	shalt  }
0x76: {  	_ =	shalt  }
0x77: {  	_ =	shalt  }
0x78: {  	_ =	shalt  }
0x79: {  	_ =	shalt  }
0x7a: {  	_ =	shalt  }
0x7b: {  	_ =	shalt  }
0x7c: {  	_ =	shalt  }
0x7d: {  	_ =	shalt  }
0x7e: {  	_ =	shalt  }
0x7f: {  	_ =	shalt  }
0x80: {  	_ =	shalt  }
0x81: {  	_ =	shalt  }
0x82: {  	_ =	shalt  }
0x83: {  	_ =	shalt  }
0x84: {  	_ =	shalt  }
0x85: {  	_ =	shalt  }
0x86: {  	_ =	shalt  }
0x87: {  	_ =	shalt  }
.Lfunc_end0:
.L_simem_size_0:
called_computation.1_lowered:
.L_overlay_start_0:
0x88: {  	s2 =	sld [smem:$0x3FD9]  }
0x89: {  	s3 =	sld [smem:$0x3FFE];
	_ =	sdelay $0x1  }
0x8a: {  	s1 =	srdreg.scid  }
0x8b: {  	s0 =	sand.u32 $0x1, s1  }
0x8c: {  	s17 =	sshll.u32 s0, $0xA;
	s2 =	sadd.s32 s3, s2  }
0x8d: {  	s2 =	sadd.s32 s2, s17  }
0x8e: {  	[smem:$0x3FC1] =	sst s2  }
0x8f: {  	_ = 	snop  }
0x90: {  	s18 =	sld [smem:$0x3FC9]  }
0x91: {  	s4 =	sld [smem:$0x3FC7];
	(tm) =	ssettm $0x1  }
0x92: {  	s19 =	sld [smem:$0x3FFB];
	_ =	sdelay $0x3  }
0x93: {  	_ =	strace s19  }
0x94: {  	s2 =	sld [smem:$0x3FFC];
	_ =	sdelay $0x3  }
0x95: {  	_ =	strace s2  }
0x96: {  	s2 =	sld [smem:$0x3FFD];
	_ =	sdelay $0x3  }
0x97: {  	_ =	strace s2  }
0x98: {  	_ =	strace $0x8FFFFFFF  }
0x99: {  	s20 =	sld [smem:$0x3FDB];
	_ =	sdelay $0x1  }
0x9a: {  	s5 =	simm.s32 $_scs_section_size  }
0x9b: {  	s6 =	simm.s32 $_size__tile_overlayer_lowered;
	s7 =	simm.s32 $_tile_overlayer_lowered  }
0x9c: {  	s8 =	simm.s32 $0x1BFF;
	s21 =	sshll.u32 s7, $0x1;
	s5 =	sadd.s32 s5, s20  }
0x9d: {  	s22 =	simm.s32 $0x0;
	s6 =	sshll.u32 s6, $0x1;
	s7 =	sadd.s32 s21, s5  }
0x9e: {  	[timem:s22], [sflag:s8] =	dma.local [hbm:s7], s6  }
0x9f: {  	_ =	swait.ge [sflag:s8], s6  }
0xa0: {  	s6 =	ssub.s32 $0x0, s6;
	[sflag:s8] =	ssyncset.done $0x0  }
0xa1: {  	[sflag:s8] =	ssyncadd.s32 s6;
	_ =	sdelay $0x1  }
0xa2: {  	s23 =	simm.s32 $0x1B8B  }
0xa3: {  	_ =	swait.ge [sflag:s23], $0x1  }
0xa4: {  	[sflag:s23] =	ssyncset.done $0x0  }
0xa5: {  	[sflag:s23] =	ssyncadd.s32 $0xFFFFFFFF  }
0xa6: {  	s6 =	sld [smem:$0x0]  }
0xa7: {  	s7 =	sand.u32 $0xFFFFFFFE, s1  }
0xa8: {  	p0 =	sne.s32 s1, s7  }
0xa9: {  	s7 =	sshll.u32 @p0 s7, $0xE  }
0xaa: {  	s7 =	sadd.s32 @p0 $0x11B8D, s7;
	s8 =	sshll.u32 @p0 s6, $0x11  }
0xab: {  	s7 =	sor.u32 @p0 s8, s7  }
0xac: {  	[sflag:s7] =	ssyncadd.remote.s32 @p0 $0x1;
	_ =	sdelay $0x1  }
0xad: {  	s7 =	simm.s32 @p0 $0x1B8D  }
0xae: {  	_ =	swait.eq @p0 [sflag:s7], $0x1  }
0xaf: {  	[sflag:s7] =	ssyncadd.s32 @p0 $0xFFFFFFFF  }
0xb0: {  	s8 =	sshll.u32 @!p0 s1, $0xE  }
0xb1: {  	s8 =	sor.u32 @!p0 $0x4000, s8;
	s7 =	simm.s32 @!p0 $0x1B8D  }
0xb2: {  	s6 =	sshll.u32 @!p0 s6, $0x11;
	s8 =	sadd.s32 @!p0 $0x11B8D, s8;
	_ =	swait.eq @!p0 [sflag:s7], $0x1  }
0xb3: {  	s6 =	sor.u32 @!p0 s6, s8;
	[sflag:s7] =	ssyncadd.s32 @!p0 $0xFFFFFFFF  }
0xb4: {  	s25 =	simm.s32 $0x1B8E;
	s24 =	sld [smem:$0x3FFE];
	[sflag:s6] =	ssyncadd.remote.s32 @!p0 $0x1  }
0xb5: {  	s26 =	simm.s32 $execute0_lowered;
	[smem:$0x3FD2] =	sst s25  }
0xb6: {  	s7 =	sshll.u32 s26, $0x1;
	_ =	strace $0x80000049;
	[dreg:$0x1] =	wrdreg $0xFFFFFFFF  }
0xb7: {  	s28 =	simm.s32 $_size_execute0_lowered;
	s5 =	sadd.s32 s5, s7;
	[dreg:$0x0] =	wrdreg $0x0  }
0xb8: {  	s7 =	sshll.u32 s28, $0x1;
	[dreg:$0x2] =	wrdreg s5  }
0xb9: {  	[dreg:$0x3] =	wrdreg s7  }
0xba: {  	[dreg:$0x4] =	wrdreg $0xC0  }
0xbb: {  	_ =	task [dreg:s22], $0x5FFFF  }
0xbc: {  	[dreg:$0x1] =	wrdreg $0xFFFFFFFF  }
0xbd: {  	[dreg:$0x0] =	wrdreg $0x60  }
0xbe: {  	[dreg:$0x2] =	wrdreg s18  }
0xbf: {  	[dreg:$0x3] =	wrdreg s4  }
0xc0: {  	[dreg:$0x4] =	wrdreg s24  }
0xc1: {  	[dreg:$0x5] =	wrdreg $0xA  }
0xc2: {  	_ =	task.clear_ibuf [dreg:s22], $0x6FFFF;
	_ =	strace $0x90000049  }
0xc3: {  	s29 =	simm.s32 $0xA;
	_ =	strace $0x8000004B  }
0xc4: {  	_ =	swait.ge [sflag:s29], $0x1  }
0xc5: {  	[sflag:s29] =	ssyncadd.s32 $0xFFFFFFFF  }
0xc6: {  	_ =	strace $0x9000004B  }
0xc7: {  	_ =	sfence  }
0xc8: {  	s30 =	sld [smem:$0x0];
	_ =	sdelay $0x2  }
0xc9: {  	s31 =	sshll.u32 s1, $0xD;
	s1 =	sshrl.u32 s1, $0x2  }
0xca: {  	s4 =	sand.u32 $0x4000, s31;
	s1 =	sadd.s32 s1, s30  }
0xcb: {  	s0 =	sor.u32 s4, s0;
	s1 =	sshll.u32 s1, $0x11  }
0xcc: {  	s0 =	sor.u32 s1, s0  }
0xcd: {  	s0 =	sadd.s32 $0x8F2B, s0  }
0xce: {  	[sflag:s0] =	ssyncadd.remote.s32 $0x1  }
0xcf: {  	_ =	sfence.sel $0xFFFF  }
0xd0: {  	[dreg:$0x0] =	wrdreg $0xFFFFFFFF;
	(pc) =	sbr.abs _section_cstart, $3  }
0xd1: {  	[dreg:$0x1] =	wrdreg $0xFFFFFFFF  }
0xd2: {  	_ =	task.clear_ibuf [dreg:s22], $0x2FFFF;
	_ =	strace $0x9FFFFFFF  }
0xd3: {  	(tm) =	ssettm $0x7FFFFFFF  }
tec
execute0_lowered:
.L_overlay_start_1:
0x0: {  	(tag) =	ssettag $0x1  }
0x1: {  	s0 =	srdreg.scid  }
0x2: {  	s14 =	stileid.u32;
	s6 =	rddreg [dreg:$0x0]  }
0x3: {  	s15 =	rddreg [dreg:$0x2];
	s1 =	sand.u32 $0x1, s0;
	s3 =	sand.u32 $0x7, s14  }
0x4: {  	s2 =	sshll.u32 s1, $0x4;
	p1 =	sne.s32 s3, $0x0;
	s8 =	sshll.u32 s3, $0x7  }
0x5: {  	s3 =	simm.s32 $0x0;
	s4 =	sor.u32 s14, s2;
	s2 =	rddreg [dreg:$0x1]  }
0x6: {  	s20 =	simm.s32 $0x900;
	[smem:$0x7FF] =	sst s3  }
0x7: {  	s21 =	simm.s32 $0x1100;
	_ =	strace $0x8000004A;
	[dreg:$0x8] =	wrdreg s20  }
0x8: {  	s22 =	simm.s32 $0x1900;
	[dreg:$0x9] =	wrdreg s21  }
0x9: {  	s23 =	simm.s32 $0x2100;
	[dreg:$0xa] =	wrdreg s22  }
0xa: {  	s24 =	simm.s32 $0x2900;
	[dreg:$0xb] =	wrdreg s23  }
0xb: {  	s25 =	simm.s32 $0x3100;
	[dreg:$0xc] =	wrdreg s24  }
0xc: {  	s26 =	simm.s32 $0x3900;
	[dreg:$0xd] =	wrdreg s25  }
0xd: {  	s0 =	simm.s32 $0x4100;
	[dreg:$0xe] =	wrdreg s26  }
0xe: {  	s5 =	simm.s32 $0x1;
	s9 =	simm.s32 $0x6900;
	[dreg:$0xf] =	wrdreg s0  }
0xf: {  	s10 =	simm.s32 $0x7100;
	s11 =	simm.s32 $0x7900;
	[dreg:$0x14] =	wrdreg s9  }
0x10: {  	s12 =	simm.s32 $0x8100;
	s13 =	simm.s32 $0x8900;
	[dreg:$0x15] =	wrdreg s10  }
0x11: {  	s28 =	simm.s32 $0x17100;
	s29 =	simm.s32 $0x17900;
	[dreg:$0x16] =	wrdreg s11  }
0x12: {  	s30 =	simm.s32 $0x2;
	s31 =	simm.s32 $0x3;
	[dreg:$0x17] =	wrdreg s12  }
0x13: {  	s1 =	ssub.s32 $0x2, s1;
	s14 =	simm.s32 $0x9100;
	[dreg:$0x18] =	wrdreg s13  }
0x14: {  	p0 =	seq.s32 s4, $0x0;
	[dreg:$0x19] =	wrdreg s14;
	s20 =	simm.s32 $0xB900  }
0x15: {  	s7 =	sshrl.u32 s4, $0x3;
	s21 =	simm.s32 $0x80;
	[dreg:$0x1e] =	wrdreg s20  }
0x16: {  	s16 =	smul.u32 $0x18000, s4;
	s22 =	simm.s32 $0xC900;
	[dreg:$0x1f] =	wrdreg s21  }
0x17: {  	s4 =	smul.u32 $0x3000, s4;
	s23 =	simm.s32 $0xD100;
	[smem:$0x7F9] =	sst s22  }
0x18: {  	s24 =	simm.s32 $0xD900;
	s25 =	simm.s32 $0xE100;
	[smem:$0x7FA] =	sst s23  }
0x19: {  	s26 =	simm.s32 $0xE900;
	s9 =	simm.s32 $0x100;
	[smem:$0x7FB] =	sst s24  }
0x1a: {  	s10 =	simm.s32 $0xC100;
	s13 =	simm.s32 $0x10100;
	[smem:$0x7FC] =	sst s25  }
0x1b: {  	s14 =	simm.s32 $0x10900;
	p0 =	por !p1, !p0;
	[smem:$0x7FD] =	sst s26  }
0x1c: {  	s20 =	simm.s32 $0x13900;
	s21 =	simm.s32 $0x14100;
	p0 =	por !p0, !p0  }
0x1d: {  	s22 =	simm.s32 $0x14900;
	s23 =	simm.s32 $0x15100;
	s5 =	simm.s32 @!p0 $0x0  }
0x1e: {  	s5 =	ssub.s32 s7, s5;
	s7 =	sadd.s32 $0x61200, s15;
	s15 =	simm.s32 $0x9900  }
0x1f: {  	s5 =	sshll.u32 s5, $0xB;
	s4 =	sadd.s32 s7, s4;
	[dreg:$0x1a] =	wrdreg s15  }
0x20: {  	s5 =	sor.u32 s8, s5;
	[dreg:$0x6] =	wrdreg s4;
	s8 =	simm.s32 $0x6100  }
0x21: {  	s24 =	simm.s32 $0x15900;
	s5 =	sshrl.u32 s5, $0x3;
	[dreg:$0x13] =	wrdreg s8  }
0x22: {  	s5 =	sadd.s32 s5, s6;
	s6 =	sshrl.u32 s16, $0x3;
	s16 =	simm.s32 $0xA100  }
0x23: {  	s25 =	simm.s32 $0x16100;
	s17 =	sadd.s32 $0x80, s5;
	[dreg:$0x1b] =	wrdreg s16  }
0x24: {  	s26 =	simm.s32 $0x16900;
	s5 =	sadd.s32 $0x88, s5;
	[dreg:$0x4] =	wrdreg s17  }
0x25: {  	s18 =	sadd.s32 s7, s6;
	s6 =	simm.s32 $0x5100;
	[dreg:$0x5] =	wrdreg s5  }
0x26: {  	s15 =	simm.s32 $0x11100;
	s7 =	simm.s32 $0x5900;
	[dreg:$0x11] =	wrdreg s6  }
0x27: {  	s4 =	simm.s32 $0x1;
	s19 =	sadd.s32 $0x1800, s18;
	[dreg:$0x12] =	wrdreg s7  }
0x28: {  	s8 =	simm.s32 $0x5;
	s5 =	simm.s32 $0x4900;
	[dreg:$0x7] =	wrdreg s19  }
0x29: {  	s16 =	simm.s32 $0x11900;
	s17 =	simm.s32 $0xA900;
	[dreg:$0x10] =	wrdreg s5  }
0x2a: {  	s18 =	simm.s32 $0xB100;
	s6 =	sadd.s32 $0x200, s2;
	[dreg:$0x1c] =	wrdreg s17  }
0x2b: {  	v2 =	vlaneseq.u32;
	s19 =	sshrl.u32 s1, $0x1;
	[dreg:$0x1d] =	wrdreg s18;
	s5 =	sadd.s32 $0x100, s2  }
0x2c: {  	vm0 =	vmmov $0xffff;
	v1 =	vshrl.u32 v2, $0x3;
	s17 =	simm.s32 $0x12100;
	s18 =	simm.s32 $0x12900;
	s1 =	ssub.s32 s1, s19  }
0x2d: {  	v0 =	vand.u32 $0x7, v2;
	v2 =	vor.u32 $0x8, v2;
	v1 =	vmul.u32 $0x8, v1;
	s19 =	simm.s32 $0x13100;
	s7 =	smax.u32 s1, $0x1;
	s1 =	simm.s32 $0x4  }
.LBB2_1:
0x2e: {  	s0 =	rddreg [dreg:$0x4]  }
0x2f: {  	[tilespmem:s3], [sflag:$0x5] =	stream.linear.gather [hbm4b:s0+s3], $0x40, $0x38;
	[tilespmem:$0x18100] =	vst v63  }
0x30: {  	_ =	swait.ge [sflag:s8], $0x40  }
0x31: {  	[sflag:s8] =	ssyncset.done $0x0  }
0x32: {  	[sflag:s8] =	ssyncadd.s32 $0xFFFFFFC0  }
0x33: {  	v3 =	vld [tilespmem:$0x0];
	_ =	sdelay $0x4  }
0x34: {  	v4 =	vshrl.u32 v3, $0x3  }
0x35: {  	v4 =	vmul.u32 $0x30, v4  }
0x36: {  	v3 =	vand.u32 $0x7, v3  }
0x37: {  	v3 =	vor.u32 v3, v4  }
0x38: {  	v4 =	vperm.xlane v3, v0;
	_ =	sdelay $0x1  }
0x39: {  	v4 =	vadd.s32 v1, v4;
	_ =	sdelay $0x3  }
0x3a: {  	v3 =	vperm.xlane v3, v2  }
0x3b: {  	[tilespmem:s9], [sflag:$0x1] =	stream.indirect_vreg.gather [hbm4b:s2+s3], $0x80, v4, vm0, $0xb8;
	[tilespmem:$0x18100] =	vst v63  }
0x3c: {  	s12 =	rddreg [dreg:$0x8];
	v3 =	vadd.s32 v1, v3  }
0x3d: {  	[tilespmem:s12], [sflag:$0x1] =	stream.indirect_vreg.gather [hbm4b:s5+s3], $0x80, v4, vm0, $0xb8;
	[tilespmem:$0x18100] =	vst v63  }
0x3e: {  	s11 =	rddreg [dreg:$0x9]  }
0x3f: {  	[tilespmem:s11], [sflag:$0x1] =	stream.indirect_vreg.gather [hbm4b:s6+s3], $0x80, v4, vm0, $0xb8;
	[tilespmem:$0x18100] =	vst v63  }
0x40: {  	s12 =	rddreg [dreg:$0xa]  }
0x41: {  	[tilespmem:s12], [sflag:$0x1] =	stream.indirect_vreg.gather [hbm4b:s2+s3], $0x80, v3, vm0, $0xb8;
	[tilespmem:$0x18100] =	vst v63  }
0x42: {  	s11 =	rddreg [dreg:$0xb]  }
0x43: {  	[tilespmem:s11], [sflag:$0x1] =	stream.indirect_vreg.gather [hbm4b:s5+s3], $0x80, v3, vm0, $0xb8;
	[tilespmem:$0x18100] =	vst v63  }
0x44: {  	s12 =	rddreg [dreg:$0xc]  }
0x45: {  	[tilespmem:s12], [sflag:$0x1] =	stream.indirect_vreg.gather [hbm4b:s6+s3], $0x80, v3, vm0, $0xb8;
	[tilespmem:$0x18100] =	vst v63  }
0x46: {  	v3 =	vld [tilespmem:$0x10];
	_ =	sdelay $0x4  }
0x47: {  	v57 =	vshrl.u32 v3, $0x3  }
0x48: {  	v4 =	vmul.u32 $0x30, v57  }
0x49: {  	v3 =	vand.u32 $0x7, v3  }
0x4a: {  	v3 =	vor.u32 v3, v4  }
0x4b: {  	v4 =	vperm.xlane v3, v0;
	_ =	sdelay $0x1  }
0x4c: {  	v4 =	vadd.s32 v1, v4;
	_ =	sdelay $0x3  }
0x4d: {  	s11 =	rddreg [dreg:$0xd];
	v3 =	vperm.xlane v3, v2  }
0x4e: {  	[tilespmem:s11], [sflag:$0x1] =	stream.indirect_vreg.gather [hbm4b:s2+s3], $0x80, v4, vm0, $0xb8;
	[tilespmem:$0x18100] =	vst v63  }
0x4f: {  	s12 =	rddreg [dreg:$0xe];
	v3 =	vadd.s32 v1, v3  }
0x50: {  	[tilespmem:s12], [sflag:$0x1] =	stream.indirect_vreg.gather [hbm4b:s5+s3], $0x80, v4, vm0, $0xb8;
	[tilespmem:$0x18100] =	vst v63  }
0x51: {  	s0 =	rddreg [dreg:$0xf]  }
0x52: {  	[tilespmem:s0], [sflag:$0x1] =	stream.indirect_vreg.gather [hbm4b:s6+s3], $0x80, v4, vm0, $0xb8;
	[tilespmem:$0x18100] =	vst v63  }
0x53: {  	s12 =	rddreg [dreg:$0x10]  }
0x54: {  	[tilespmem:s12], [sflag:$0x1] =	stream.indirect_vreg.gather [hbm4b:s2+s3], $0x80, v3, vm0, $0xb8;
	[tilespmem:$0x18100] =	vst v63  }
0x55: {  	s0 =	rddreg [dreg:$0x11]  }
0x56: {  	[tilespmem:s0], [sflag:$0x1] =	stream.indirect_vreg.gather [hbm4b:s5+s3], $0x80, v3, vm0, $0xb8;
	[tilespmem:$0x18100] =	vst v63  }
0x57: {  	s12 =	rddreg [dreg:$0x12]  }
0x58: {  	[tilespmem:s12], [sflag:$0x1] =	stream.indirect_vreg.gather [hbm4b:s6+s3], $0x80, v3, vm0, $0xb8;
	[tilespmem:$0x18100] =	vst v63  }
0x59: {  	v3 =	vld [tilespmem:$0x20];
	_ =	sdelay $0x4  }
0x5a: {  	v58 =	vshrl.u32 v3, $0x3  }
0x5b: {  	v4 =	vmul.u32 $0x30, v58  }
0x5c: {  	v3 =	vand.u32 $0x7, v3  }
0x5d: {  	v3 =	vor.u32 v3, v4  }
0x5e: {  	v4 =	vperm.xlane v3, v0;
	_ =	sdelay $0x1  }
0x5f: {  	v4 =	vadd.s32 v1, v4;
	_ =	sdelay $0x3  }
0x60: {  	s11 =	rddreg [dreg:$0x13];
	v3 =	vperm.xlane v3, v2  }
0x61: {  	[tilespmem:s11], [sflag:$0x1] =	stream.indirect_vreg.gather [hbm4b:s2+s3], $0x80, v4, vm0, $0xb8;
	[tilespmem:$0x18100] =	vst v63  }
0x62: {  	s12 =	rddreg [dreg:$0x14];
	v3 =	vadd.s32 v1, v3  }
0x63: {  	[tilespmem:s12], [sflag:$0x1] =	stream.indirect_vreg.gather [hbm4b:s5+s3], $0x80, v4, vm0, $0xb8;
	[tilespmem:$0x18100] =	vst v63  }
0x64: {  	s0 =	rddreg [dreg:$0x15]  }
0x65: {  	[tilespmem:s0], [sflag:$0x1] =	stream.indirect_vreg.gather [hbm4b:s6+s3], $0x80, v4, vm0, $0xb8;
	[tilespmem:$0x18100] =	vst v63  }
0x66: {  	s12 =	rddreg [dreg:$0x16]  }
0x67: {  	[tilespmem:s12], [sflag:$0x1] =	stream.indirect_vreg.gather [hbm4b:s2+s3], $0x80, v3, vm0, $0xb8;
	[tilespmem:$0x18100] =	vst v63  }
0x68: {  	s0 =	rddreg [dreg:$0x17]  }
0x69: {  	[tilespmem:s0], [sflag:$0x1] =	stream.indirect_vreg.gather [hbm4b:s5+s3], $0x80, v3, vm0, $0xb8;
	[tilespmem:$0x18100] =	vst v63  }
0x6a: {  	s12 =	rddreg [dreg:$0x18]  }
0x6b: {  	[tilespmem:s12], [sflag:$0x1] =	stream.indirect_vreg.gather [hbm4b:s6+s3], $0x80, v3, vm0, $0xb8;
	[tilespmem:$0x18100] =	vst v63  }
0x6c: {  	v3 =	vld [tilespmem:$0x30];
	_ =	sdelay $0x4  }
0x6d: {  	v59 =	vshrl.u32 v3, $0x3  }
0x6e: {  	v4 =	vmul.u32 $0x30, v59  }
0x6f: {  	v3 =	vand.u32 $0x7, v3  }
0x70: {  	v3 =	vor.u32 v3, v4  }
0x71: {  	v4 =	vperm.xlane v3, v0;
	_ =	sdelay $0x1  }
0x72: {  	v4 =	vadd.s32 v1, v4;
	_ =	sdelay $0x2  }
0x73: {  	s11 =	rddreg [dreg:$0x1a]  }
0x74: {  	s12 =	rddreg [dreg:$0x19];
	v3 =	vperm.xlane v3, v2  }
0x75: {  	[tilespmem:s12], [sflag:$0x1] =	stream.indirect_vreg.gather [hbm4b:s2+s3], $0x80, v4, vm0, $0xb8;
	[tilespmem:$0x18100] =	vst v63  }
0x76: {  	s0 =	rddreg [dreg:$0x1e];
	v3 =	vadd.s32 v1, v3  }
0x77: {  	[tilespmem:s11], [sflag:$0x1] =	stream.indirect_vreg.gather [hbm4b:s5+s3], $0x80, v4, vm0, $0xb8;
	[tilespmem:$0x18100] =	vst v63  }
0x78: {  	s12 =	rddreg [dreg:$0x1b]  }
0x79: {  	[tilespmem:s12], [sflag:$0x1] =	stream.indirect_vreg.gather [hbm4b:s6+s3], $0x80, v4, vm0, $0xb8;
	[tilespmem:$0x18100] =	vst v63  }
0x7a: {  	s11 =	rddreg [dreg:$0x1c]  }
0x7b: {  	[tilespmem:s11], [sflag:$0x1] =	stream.indirect_vreg.gather [hbm4b:s2+s3], $0x80, v3, vm0, $0xb8;
	[tilespmem:$0x18100] =	vst v63  }
0x7c: {  	s12 =	rddreg [dreg:$0x1d]  }
0x7d: {  	[tilespmem:s12], [sflag:$0x1] =	stream.indirect_vreg.gather [hbm4b:s5+s3], $0x80, v3, vm0, $0xb8;
	[tilespmem:$0x18100] =	vst v63  }
0x7e: {  	s11 =	rddreg [dreg:$0x5]  }
0x7f: {  	[tilespmem:s0], [sflag:$0x1] =	stream.indirect_vreg.gather [hbm4b:s6+s3], $0x80, v3, vm0, $0xb8;
	[tilespmem:$0x18100] =	vst v63  }
0x80: {  	s12 =	rddreg [dreg:$0x1f]  }
0x81: {  	[tilespmem:s12], [sflag:$0x5] =	stream.linear.gather [hbm4b:s11+s3], $0x40, $0x38;
	[tilespmem:$0x18100] =	vst v63  }
0x82: {  	_ =	swait.ge [sflag:s8], $0x40  }
0x83: {  	[sflag:s8] =	ssyncset.done $0x0  }
0x84: {  	[sflag:s8] =	ssyncadd.s32 $0xFFFFFFC0  }
0x85: {  	v3 =	vld [tilespmem:$0x80];
	_ =	sdelay $0x4  }
0x86: {  	v60 =	vshrl.u32 v3, $0x3  }
0x87: {  	v4 =	vmul.u32 $0x30, v60  }
0x88: {  	v3 =	vand.u32 $0x7, v3  }
0x89: {  	v3 =	vor.u32 v3, v4  }
0x8a: {  	v4 =	vperm.xlane v3, v0;
	_ =	sdelay $0x1  }
0x8b: {  	v4 =	vadd.s32 v1, v4;
	_ =	sdelay $0x3  }
0x8c: {  	s12 =	sld [smem:$0x7F9];
	v3 =	vperm.xlane v3, v2  }
0x8d: {  	[tilespmem:s10], [sflag:$0x2] =	stream.indirect_vreg.gather [hbm4b:s2+s3], $0x80, v4, vm0, $0xb8;
	[tilespmem:$0x18100] =	vst v63  }
0x8e: {  	s11 =	sld [smem:$0x7FA];
	v3 =	vadd.s32 v1, v3  }
0x8f: {  	[tilespmem:s12], [sflag:$0x2] =	stream.indirect_vreg.gather [hbm4b:s5+s3], $0x80, v4, vm0, $0xb8;
	[tilespmem:$0x18100] =	vst v63  }
0x90: {  	s12 =	sld [smem:$0x7FB]  }
0x91: {  	[tilespmem:s11], [sflag:$0x2] =	stream.indirect_vreg.gather [hbm4b:s6+s3], $0x80, v4, vm0, $0xb8;
	[tilespmem:$0x18100] =	vst v63  }
0x92: {  	s11 =	sld [smem:$0x7FC]  }
0x93: {  	[tilespmem:s12], [sflag:$0x2] =	stream.indirect_vreg.gather [hbm4b:s2+s3], $0x80, v3, vm0, $0xb8;
	[tilespmem:$0x18100] =	vst v63  }
0x94: {  	s12 =	sld [smem:$0x7FD]  }
0x95: {  	[tilespmem:s11], [sflag:$0x2] =	stream.indirect_vreg.gather [hbm4b:s5+s3], $0x80, v3, vm0, $0xb8;
	[tilespmem:$0x18100] =	vst v63  }
0x96: {  	_ = 	snop  }
0x97: {  	[tilespmem:s12], [sflag:$0x2] =	stream.indirect_vreg.gather [hbm4b:s6+s3], $0x80, v3, vm0, $0xb8;
	[tilespmem:$0x18100] =	vst v63  }
0x98: {  	v3 =	vld [tilespmem:$0x90];
	_ =	sdelay $0x4  }
0x99: {  	v61 =	vshrl.u32 v3, $0x3  }
0x9a: {  	v4 =	vmul.u32 $0x30, v61  }
0x9b: {  	v3 =	vand.u32 $0x7, v3  }
0x9c: {  	v3 =	vor.u32 v3, v4  }
0x9d: {  	v4 =	vperm.xlane v3, v0;
	_ =	sdelay $0x1  }
0x9e: {  	v4 =	vadd.s32 v1, v4;
	_ =	sdelay $0x3  }
0x9f: {  	s11 =	simm.s32 $0xF100;
	v3 =	vperm.xlane v3, v2  }
0xa0: {  	[tilespmem:s11], [sflag:$0x2] =	stream.indirect_vreg.gather [hbm4b:s2+s3], $0x80, v4, vm0, $0xb8;
	[tilespmem:$0x18100] =	vst v63  }
0xa1: {  	s12 =	simm.s32 $0xF900;
	v3 =	vadd.s32 v1, v3  }
0xa2: {  	[tilespmem:s12], [sflag:$0x2] =	stream.indirect_vreg.gather [hbm4b:s5+s3], $0x80, v4, vm0, $0xb8;
	[tilespmem:$0x18100] =	vst v63  }
0xa3: {  	_ = 	snop  }
0xa4: {  	[tilespmem:s13], [sflag:$0x2] =	stream.indirect_vreg.gather [hbm4b:s6+s3], $0x80, v4, vm0, $0xb8;
	[tilespmem:$0x18100] =	vst v63  }
0xa5: {  	_ = 	snop  }
0xa6: {  	[tilespmem:s14], [sflag:$0x2] =	stream.indirect_vreg.gather [hbm4b:s2+s3], $0x80, v3, vm0, $0xb8;
	[tilespmem:$0x18100] =	vst v63  }
0xa7: {  	_ = 	snop  }
0xa8: {  	[tilespmem:s15], [sflag:$0x2] =	stream.indirect_vreg.gather [hbm4b:s5+s3], $0x80, v3, vm0, $0xb8;
	[tilespmem:$0x18100] =	vst v63  }
0xa9: {  	_ = 	snop  }
0xaa: {  	[tilespmem:s16], [sflag:$0x2] =	stream.indirect_vreg.gather [hbm4b:s6+s3], $0x80, v3, vm0, $0xb8;
	[tilespmem:$0x18100] =	vst v63  }
0xab: {  	v3 =	vld [tilespmem:$0xA0];
	_ =	sdelay $0x4  }
0xac: {  	v62 =	vshrl.u32 v3, $0x3  }
0xad: {  	v4 =	vmul.u32 $0x30, v62  }
0xae: {  	v3 =	vand.u32 $0x7, v3  }
0xaf: {  	v3 =	vor.u32 v3, v4  }
0xb0: {  	v4 =	vperm.xlane v3, v0;
	_ =	sdelay $0x1  }
0xb1: {  	v4 =	vadd.s32 v1, v4;
	_ =	sdelay $0x3  }
0xb2: {  	v3 =	vperm.xlane v3, v2  }
0xb3: {  	[tilespmem:s17], [sflag:$0x2] =	stream.indirect_vreg.gather [hbm4b:s2+s3], $0x80, v4, vm0, $0xb8;
	[tilespmem:$0x18100] =	vst v63  }
0xb4: {  	v3 =	vadd.s32 v1, v3  }
0xb5: {  	[tilespmem:s18], [sflag:$0x2] =	stream.indirect_vreg.gather [hbm4b:s5+s3], $0x80, v4, vm0, $0xb8;
	[tilespmem:$0x18100] =	vst v63  }
0xb6: {  	_ = 	snop  }
0xb7: {  	[tilespmem:s19], [sflag:$0x2] =	stream.indirect_vreg.gather [hbm4b:s6+s3], $0x80, v4, vm0, $0xb8;
	[tilespmem:$0x18100] =	vst v63  }
0xb8: {  	_ = 	snop  }
0xb9: {  	[tilespmem:s20], [sflag:$0x2] =	stream.indirect_vreg.gather [hbm4b:s2+s3], $0x80, v3, vm0, $0xb8;
	[tilespmem:$0x18100] =	vst v63  }
0xba: {  	_ = 	snop  }
0xbb: {  	[tilespmem:s21], [sflag:$0x2] =	stream.indirect_vreg.gather [hbm4b:s5+s3], $0x80, v3, vm0, $0xb8;
	[tilespmem:$0x18100] =	vst v63  }
0xbc: {  	_ = 	snop  }
0xbd: {  	[tilespmem:s22], [sflag:$0x2] =	stream.indirect_vreg.gather [hbm4b:s6+s3], $0x80, v3, vm0, $0xb8;
	[tilespmem:$0x18100] =	vst v63  }
0xbe: {  	v3 =	vld [tilespmem:$0xB0];
	_ =	sdelay $0x4  }
0xbf: {  	v63 =	vshrl.u32 v3, $0x3  }
0xc0: {  	v4 =	vmul.u32 $0x30, v63  }
0xc1: {  	v3 =	vand.u32 $0x7, v3  }
0xc2: {  	v3 =	vor.u32 v3, v4  }
0xc3: {  	v4 =	vperm.xlane v3, v0;
	_ =	sdelay $0x1  }
0xc4: {  	v4 =	vadd.s32 v1, v4;
	_ =	sdelay $0x3  }
0xc5: {  	v3 =	vperm.xlane v3, v2  }
0xc6: {  	[tilespmem:s23], [sflag:$0x2] =	stream.indirect_vreg.gather [hbm4b:s2+s3], $0x80, v4, vm0, $0xb8;
	[tilespmem:$0x18100] =	vst v63  }
0xc7: {  	v3 =	vadd.s32 v1, v3  }
0xc8: {  	[tilespmem:s24], [sflag:$0x2] =	stream.indirect_vreg.gather [hbm4b:s5+s3], $0x80, v4, vm0, $0xb8;
	[tilespmem:$0x18100] =	vst v63  }
0xc9: {  	_ = 	snop  }
0xca: {  	[tilespmem:s25], [sflag:$0x2] =	stream.indirect_vreg.gather [hbm4b:s6+s3], $0x80, v4, vm0, $0xb8;
	[tilespmem:$0x18100] =	vst v63  }
0xcb: {  	_ = 	snop  }
0xcc: {  	[tilespmem:s26], [sflag:$0x2] =	stream.indirect_vreg.gather [hbm4b:s2+s3], $0x80, v3, vm0, $0xb8;
	[tilespmem:$0x18100] =	vst v63  }
0xcd: {  	_ = 	snop  }
0xce: {  	[tilespmem:s28], [sflag:$0x2] =	stream.indirect_vreg.gather [hbm4b:s5+s3], $0x80, v3, vm0, $0xb8;
	[tilespmem:$0x18100] =	vst v63  }
0xcf: {  	_ = 	snop  }
0xd0: {  	[tilespmem:s29], [sflag:$0x2] =	stream.indirect_vreg.gather [hbm4b:s6+s3], $0x80, v3, vm0, $0xb8;
	[tilespmem:$0x18100] =	vst v63  }
0xd1: {  	_ =	swait.ge [sflag:s4], $0xC000  }
0xd2: {  	[sflag:s4] =	ssyncset.done $0x0  }
0xd3: {  	s11 =	rddreg [dreg:$0x6];
	[sflag:s4] =	ssyncadd.s32 $0xFFFF4000  }
0xd4: {  	[hbm4b:s11+s3] =	stream.linear.scatter [tilespmem:s9], [sflag:$0x3], $0xC000, $0x38;
	[tilespmem:$0x18100] =	vst v63  }
0xd5: {  	_ =	swait.ge [sflag:s30], $0xC000  }
0xd6: {  	[sflag:s30] =	ssyncset.done $0x0  }
0xd7: {  	s12 =	rddreg [dreg:$0x7];
	[sflag:s30] =	ssyncadd.s32 $0xFFFF4000  }
0xd8: {  	[hbm4b:s12+s3] =	stream.linear.scatter [tilespmem:s10], [sflag:$0x4], $0xC000, $0x38;
	[tilespmem:$0x18100] =	vst v63  }
0xd9: {  	p0 =	sne.s32 s7, $0x1;
	_ =	swait.ge [sflag:s31], $0xC000  }
.Ltmp0:
0xda: {  	[sflag:s31] =	ssyncset.done $0x0;
	(pc) =	sbr.rel @p0 .LBB2_1-.Ltmp0, $4  }
0xdb: {  	[sflag:s31] =	ssyncadd.s32 $0xFFFF4000  }
0xdc: {  	_ =	swait.ge [sflag:s1], $0xC000  }
0xdd: {  	[sflag:s1] =	ssyncset.done $0x0  }
0xde: {  	s7 =	sadd.s32 $0xFFFFFFFF, s7;
	[sflag:s1] =	ssyncadd.s32 $0xFFFF4000  }
0xdf: {  	_ =	sfence.sel $0x180000  }
0xe0: {  	[bflag:$0x0] =	sbarrier.arrive $0xFFFF  }
0xe1: {  	_ =	strace $0x9000004A  }
0xe2: {  	s0 =	stileid.u32;
	[bflag:$0x2] =	sbarrier.arrive $0xFFFF  }
0xe3: {  	p0 =	sne.s32 s0, $0x0;
	s0 =	rddreg [dreg:$0x3]  }
0xe4: {  	s0 =	sadd.s32 @!p0 $0x100000, s0  }
0xe5: {  	[sflag:s0] =	ssyncadd.tile.s32 @!p0 $0x1;
	_ =	shalt  }
.Lfunc_end2:
_tile_overlayer_lowered:
.L_overlay_start_2:
0xe6: {  	(tag) =	ssettag $0x2  }
0xe7: {  	s0 =	rddreg [dreg:$0x0];
	s2 =	stileid.u32  }
0xe8: {  	s1 =	rddreg [dreg:$0x1];
	p0 =	sne.s32 s2, $0x0  }
0xe9: {  	s3 =	rddreg [dreg:$0x2];
	[bflag:$0x3] =	sbarrier.arrive $0xFFFF;
	s2 =	simm.s32 @!p0 $0x1C05  }
0xea: {  	[timem:s3], [sflag:s2] =	dma.local @!p0 [hbm:s0], s1  }
0xeb: {  	s0 =	simm.s32 @!p0 $0x5  }
0xec: {  	_ =	swait.ge @!p0 [sflag:s0], s1  }
0xed: {  	s1 =	ssub.s32 @!p0 $0x0, s1;
	[sflag:s0] =	ssyncset.done @!p0 $0x0  }
0xee: {  	[sflag:s0] =	ssyncadd.s32 @!p0 s1  }
0xef: {  	[bflag:$0x3] =	sbarrier.arrive $0xFFFF  }
0xf0: {  	_ =	shalt  }

</sc_bundles>
